<compile_context>
chip_gen: v7x
topology: tpu7x:2x2x1
jax: 0.10.2.dev20260603
libtpu: 0.0.44.dev20260713+nightly
codegen_flags: <defaults>
</compile_context>

<pallas_src>
import functools

import jax
import jax.numpy as jnp
from jax import lax
from jax.experimental import pallas as pl
from jax.experimental.pallas import tpu as pltpu
from jax.experimental.pallas import tpu_sc as plsc

N = 10000
D = 128
E = 320000
P = 128

C = 125
ROWS = E // C
NW = 32
RPT = ROWS // NW
K = 40
NB = RPT // K
NPT = 640
NPAD = 16 * NPT

f32 = jnp.float32


def _sc_scatter_add(m, src3d, dst3d, zrows):
    mesh = plsc.VectorSubcoreMesh(core_axis_name="c", subcore_axis_name="s")

    @functools.partial(
        pl.kernel,
        mesh=mesh,
        out_type=jax.ShapeDtypeStruct((NW, NPT, D), f32),
        scratch_types=[
            pltpu.VMEM((K, C), jnp.int32),
            pltpu.VMEM((K, C), jnp.int32),
            pltpu.VMEM((C, D), f32),
            pltpu.VMEM((C, D), f32),
            pltpu.VMEM_SHARED((NPAD, D), f32),
            pltpu.SemaphoreType.DMA,
            pltpu.SemaphoreType.DMA,
        ],
    )
    def k(m_hbm, src_hbm, dst_hbm, z_hbm, out_hbm,
          src_v, dst_v, rows_a, rows_b, acc, sem_a, sem_b):
        c = lax.axis_index("c")
        s = lax.axis_index("s")
        wid = s * 2 + c
        pltpu.sync_copy(z_hbm, acc.at[pl.ds(s * NPT, NPT)])
        plsc.subcore_barrier()

        def blk_body(blk, carry):
            pltpu.sync_copy(src_hbm.at[wid, blk], src_v)
            pltpu.sync_copy(dst_hbm.at[wid, blk], dst_v)

            pltpu.async_copy(m_hbm.at[src_v.at[0]], rows_a, sem_a)
            pltpu.async_copy(m_hbm.at[src_v.at[1]], rows_b, sem_b)

            def body(j2, carry2):
                j = 2 * j2
                pltpu.make_async_copy(m_hbm.at[src_v.at[j]], rows_a, sem_a).wait()
                pltpu.sync_copy(rows_a, acc.at[dst_v.at[j]], add=True)
                pltpu.async_copy(m_hbm.at[src_v.at[j + 2]], rows_a, sem_a)
                pltpu.make_async_copy(
                    m_hbm.at[src_v.at[j + 1]], rows_b, sem_b).wait()
                pltpu.sync_copy(rows_b, acc.at[dst_v.at[j + 1]], add=True)
                pltpu.async_copy(m_hbm.at[src_v.at[j + 3]], rows_b, sem_b)
                return carry2

            lax.fori_loop(0, K // 2 - 1, body, 0)

            je = K - 2
            pltpu.make_async_copy(m_hbm.at[src_v.at[je]], rows_a, sem_a).wait()
            pltpu.sync_copy(rows_a, acc.at[dst_v.at[je]], add=True)
            pltpu.make_async_copy(m_hbm.at[src_v.at[je + 1]], rows_b, sem_b).wait()
            pltpu.sync_copy(rows_b, acc.at[dst_v.at[je + 1]], add=True)
            return carry

        lax.fori_loop(0, NB, blk_body, 0)
        plsc.subcore_barrier()
        pltpu.sync_copy(acc.at[pl.ds(s * NPT, NPT)], out_hbm.at[c * 16 + s])

    return k(m, src3d, dst3d, zrows)


def _tc_matmul(x, W):
    def body(x_r, w_r, m_r):
        m_r[...] = jnp.dot(x_r[...], w_r[...], preferred_element_type=f32)

    return pl.pallas_call(
        body, out_shape=jax.ShapeDtypeStruct((N, D), f32))(x, W)


def _tc_res(x, Wr, br):
    def body(x_r, wr_r, br_r, res_r):
        res_r[...] = jnp.maximum(
            jnp.dot(x_r[...], wr_r[...], preferred_element_type=f32)
            + br_r[...], 0.0)

    return pl.pallas_call(
        body, out_shape=jax.ShapeDtypeStruct((N, D), f32))(x, Wr, br.reshape(1, D))


def _bn_block(aggs_r, b_r, res_r, g_r, be_r):
    agg = aggs_r[0:N, :] + aggs_r[NPAD:NPAD + N, :]
    h = jnp.maximum(agg + b_r[...], 0.0) + res_r[...]
    mean = jnp.mean(h, axis=0, keepdims=True)
    d = h - mean
    var = jnp.mean(d * d, axis=0, keepdims=True)
    return d * lax.rsqrt(var + 1e-5) * g_r[...] + be_r[...]


def _tc_mid(aggs, b, res, g, be, W1):
    def body(aggs_r, b_r, res_r, g_r, be_r, w_r, m_r, hn_r):
        hn = _bn_block(aggs_r, b_r, res_r, g_r, be_r)
        m_r[...] = jnp.dot(hn, w_r[...], preferred_element_type=f32)
        hn_r[...] = hn

    return pl.pallas_call(
        body,
        out_shape=(jax.ShapeDtypeStruct((N, D), f32),
                   jax.ShapeDtypeStruct((N, D), f32)),
    )(aggs, b, res, g, be, W1)


def _tc_out(aggs, b, res, g, be, Wa, ba, Wt, bt):
    def body(aggs_r, b_r, res_r, g_r, be_r, wa_r, ba_r, wt_r, bt_r, o_r):
        hn = _bn_block(aggs_r, b_r, res_r, g_r, be_r)
        w = jax.nn.sigmoid(
            jnp.dot(hn, wa_r[...], preferred_element_type=f32) + ba_r[...])
        hsum = jnp.sum(w * hn, axis=0, keepdims=True)
        hmax = jnp.max(hn, axis=0, keepdims=True)
        hg = jnp.concatenate([hsum, hmax], axis=1)
        o_r[...] = jnp.dot(hg, wt_r[...], preferred_element_type=f32) + bt_r[...]

    return pl.pallas_call(
        body,
        out_shape=jax.ShapeDtypeStruct((1, P), f32),
    )(aggs, b, res, g, be, Wa, ba, Wt, bt)


def kernel(x, edge_index, W0, b0, Wr0, br0, g0, be0,
           W1, b1, Wr1, br1, g1, be1, Wa, ba, Wt, bt):
    src3d = edge_index[0].reshape(NW, NB, K, C)
    dst3d = edge_index[1].reshape(NW, NB, K, C)
    z = jnp.zeros((NPT, D), f32)

    m0 = _tc_matmul(x, W0)
    aggs0 = _sc_scatter_add(m0, src3d, dst3d, z).reshape(2 * NPAD, D)
    res0 = _tc_res(x, Wr0, br0)
    m1, hn0 = _tc_mid(aggs0, b0.reshape(1, D), res0, g0.reshape(1, D),
                      be0.reshape(1, D), W1)
    aggs1 = _sc_scatter_add(m1, src3d, dst3d, z).reshape(2 * NPAD, D)
    res1 = _tc_res(hn0, Wr1, br1)
    return _tc_out(aggs1, b1.reshape(1, D), res1, g1.reshape(1, D),
                   be1.reshape(1, D), Wa, ba.reshape(1, 1), Wt, bt.reshape(1, P))

# --- scband reference (transcript-rebuilt; emitter-appended) ---
"""Pipeline reference for scband-dgl-gcn-1692217114861 (READ-ONLY COPY).

The authoritative reference and input builder live on the scoring server;
editing this copy changes nothing except your own understanding.
"""

import jax, jax.numpy as jnp
import numpy as np

N = 10000
E = 320000
D = 128
H1 = 128
H2 = 128
P = 128

def _lin_params(k, fan_in, fan_out):
    k1, k2 = jax.random.split(k)
    bound = 1.0 / np.sqrt(fan_in)
    W = jax.random.uniform(k1, (fan_in, fan_out), jnp.float32, -bound, bound)
    b = jax.random.uniform(k2, (fan_out,), jnp.float32, -bound, bound)
    return W, b

def setup_inputs(seed: int = 0):
    key = jax.random.key(seed)
    ks = jax.random.split(key, 10)
    inp = {}
    inp["x"] = jax.random.normal(ks[0], (N, D), dtype=jnp.float32)
    inp["edge_index"] = jax.random.randint(ks[1], (2, E), 0, N, dtype=jnp.int32)
    inp["W0"], inp["b0"] = _lin_params(ks[2], D, H1)
    inp["Wr0"], inp["br0"] = _lin_params(ks[3], D, H1)
    inp["g0"] = jnp.ones((H1,), jnp.float32)
    inp["be0"] = jnp.zeros((H1,), jnp.float32)
    inp["W1"], inp["b1"] = _lin_params(ks[4], H1, H2)
    inp["Wr1"], inp["br1"] = _lin_params(ks[5], H1, H2)
    inp["g1"] = jnp.ones((H2,), jnp.float32)
    inp["be1"] = jnp.zeros((H2,), jnp.float32)
    inp["Wa"], inp["ba"] = _lin_params(ks[6], H2, 1)
    inp["Wt"], inp["bt"] = _lin_params(ks[7], 2 * H2, P)
    return inp

def _gcn_layer(x, src, dst, W, b, Wr, br, gamma, beta):
    # DGL GraphConv(norm='none'): project, copy-src message, sum at dst, bias, relu
    m = x @ W
    agg = jnp.zeros_like(m).at[dst].add(m[src])
    h = jax.nn.relu(agg + b)
    # dgllife GCNLayer residual connection (default residual=True)
    res = jax.nn.relu(x @ Wr + br)
    h = h + res
    # dgllife GCNLayer batchnorm (default batchnorm=True), training-mode batch stats
    mean = jnp.mean(h, axis=0)
    var = jnp.var(h, axis=0)
    h = (h - mean) / jnp.sqrt(var + 1e-5) * gamma + beta
    return h

def reference(x, edge_index, W0, b0, Wr0, br0, g0, be0, W1, b1, Wr1, br1, g1, be1, Wa, ba, Wt, bt):
    src = edge_index[0]
    dst = edge_index[1]
    h = _gcn_layer(x, src, dst, W0, b0, Wr0, br0, g0, be0)
    h = _gcn_layer(h, src, dst, W1, b1, Wr1, br1, g1, be1)
    # WeightedSumAndMax readout over the (single) batched graph
    w = jax.nn.sigmoid(h @ Wa + ba)
    h_sum = jnp.sum(w * h, axis=0)
    h_max = jnp.max(h, axis=0)
    hg = jnp.concatenate([h_sum, h_max])[None, :]
    return hg @ Wt + bt

if __name__ == "__main__":
    import jax
    _d = setup_inputs()
    print(jax.jit(kernel)(*tuple(_d.values())))

</pallas_src>

<mosaic_0001>
#map = affine_map<(d0, d1) -> (0, 0)>
#map1 = affine_map<(d0, d1) -> (0, 0, 0, 0)>
#map2 = affine_map<(d0, d1) -> (0, 0, 0)>
module attributes {stable_mosaic.version = 14 : i64} {
  func.func @k(%arg0: i32, %arg1: i32, %arg2: memref<10000x128xf32, #tpu.memory_space<hbm>>, %arg3: memref<32x2x40x125xi32, #tpu.memory_space<hbm>>, %arg4: memref<32x2x40x125xi32, #tpu.memory_space<hbm>>, %arg5: memref<640x128xf32, #tpu.memory_space<hbm>>, %arg6: memref<32x640x128xf32, #tpu.memory_space<hbm>>, %arg7: memref<40x125xi32, #tpu.memory_space<vmem>>, %arg8: memref<40x125xi32, #tpu.memory_space<vmem>>, %arg9: memref<125x128xf32, #tpu.memory_space<vmem>>, %arg10: memref<125x128xf32, #tpu.memory_space<vmem>>, %arg11: memref<10240x128xf32, #tpu.memory_space<vmem_shared>>, %arg12: memref<!tpu.dma_semaphore, #tpu.memory_space<semaphore_mem>>, %arg13: memref<!tpu.dma_semaphore, #tpu.memory_space<semaphore_mem>>) attributes {dimension_semantics = [#tpu.dimension_semantics<core_parallel>, #tpu.dimension_semantics<subcore_parallel>], iteration_bounds = array<i64: 2, 16>, scalar_prefetch = 0 : i64, scratch_operands = 7 : i64, tpu.core_type = #tpu.core_type<sc_vector_subcore>, window_params = [{transform_indices = #map}, {transform_indices = #map1}, {transform_indices = #map1}, {transform_indices = #map}, {transform_indices = #map2}]} {
    %mul3A = arith.constant 2 : i32
    %mul3A_0 = arith.muli %arg1, %mul3A : i32
    %add3A = arith.addi %mul3A_0, %arg0 : i32
    %mul3A_1 = arith.constant 640 : i32
    %mul3A_2 = arith.muli %arg1, %mul3A_1 : i32
    "tpu.region"() ({
      %run_scoped3A = tpu.sem_alloc : memref<!tpu.dma_semaphore, #tpu.memory_space<semaphore_mem>>
      %dma_start3A = arith.constant 0 : i32
      %dma_start3A_14 = tpu.memref_slice %arg11[%mul3A_2, %dma_start3A] : memref<10240x128xf32, #tpu.memory_space<vmem_shared>> -> memref<640x128xf32, #tpu.memory_space<vmem_shared>>
      tpu.enqueue_dma source(%arg5 : memref<640x128xf32, #tpu.memory_space<hbm>>) target(%dma_start3A_14 : memref<640x128xf32, #tpu.memory_space<vmem_shared>>) target_semaphore(%run_scoped3A : memref<!tpu.dma_semaphore, #tpu.memory_space<semaphore_mem>>)
      %dma_wait3A = arith.constant 0 : i32
      %dma_wait3A_15 = tpu.memref_slice %arg11[%mul3A_2, %dma_wait3A] : memref<10240x128xf32, #tpu.memory_space<vmem_shared>> -> memref<640x128xf32, #tpu.memory_space<vmem_shared>>
      tpu.wait_dma2 semaphore(%run_scoped3A : memref<!tpu.dma_semaphore, #tpu.memory_space<semaphore_mem>>) src(%arg5 : memref<640x128xf32, #tpu.memory_space<hbm>>) dst(%dma_wait3A_15 : memref<640x128xf32, #tpu.memory_space<vmem_shared>>)
      tpu.yield
    }) : () -> ()
    %barrier3A = arith.constant 0 : index
    tpu.barrier barrier_id(%barrier3A)
    %scan3A = arith.constant 0 : i32
    %scan3A_3 = arith.constant 0 : i32
    %scan3A_4 = arith.constant 2 : i32
    %scan3A_5 = arith.addi %scan3A_3, %scan3A_4 : i32
    %scan3A_6 = arith.constant 1 : i32
    scf.for %scan3A_14 = %scan3A_3 to %scan3A_5 step %scan3A_6  : i32 {
      "tpu.region"() ({
        %run_scoped3A_48 = tpu.sem_alloc : memref<!tpu.dma_semaphore, #tpu.memory_space<semaphore_mem>>
        %dma_start3A_49 = arith.constant 0 : i32
        %dma_start3A_50 = arith.constant 0 : i32
        %dma_start3A_51 = tpu.memref_slice %arg3[%add3A, %scan3A_14, %dma_start3A_49, %dma_start3A_50] : memref<32x2x40x125xi32, #tpu.memory_space<hbm>> -> memref<1x1x40x125xi32, #tpu.memory_space<hbm>>
        %dma_start3A_52 = tpu.memref_squeeze %dma_start3A_51 : memref<1x1x40x125xi32, #tpu.memory_space<hbm>> -> memref<40x125xi32, #tpu.memory_space<hbm>>
        %dma_start3A_53 = arith.constant 0 : i32
        %dma_start3A_54 = arith.constant 0 : i32
        %dma_start3A_55 = tpu.memref_slice %arg3[%add3A, %scan3A_14, %dma_start3A_53, %dma_start3A_54] : memref<32x2x40x125xi32, #tpu.memory_space<hbm>> -> memref<1x1x40x125xi32, #tpu.memory_space<hbm>>
        %dma_start3A_56 = tpu.memref_squeeze %dma_start3A_55 : memref<1x1x40x125xi32, #tpu.memory_space<hbm>> -> memref<40x125xi32, #tpu.memory_space<hbm>>
        tpu.enqueue_dma source(%dma_start3A_56 : memref<40x125xi32, #tpu.memory_space<hbm>>) target(%arg7 : memref<40x125xi32, #tpu.memory_space<vmem>>) target_semaphore(%run_scoped3A_48 : memref<!tpu.dma_semaphore, #tpu.memory_space<semaphore_mem>>)
        %dma_wait3A_57 = arith.constant 0 : i32
        %dma_wait3A_58 = arith.constant 0 : i32
        %dma_wait3A_59 = tpu.memref_slice %arg3[%add3A, %scan3A_14, %dma_wait3A_57, %dma_wait3A_58] : memref<32x2x40x125xi32, #tpu.memory_space<hbm>> -> memref<1x1x40x125xi32, #tpu.memory_space<hbm>>
        %dma_wait3A_60 = tpu.memref_squeeze %dma_wait3A_59 : memref<1x1x40x125xi32, #tpu.memory_space<hbm>> -> memref<40x125xi32, #tpu.memory_space<hbm>>
        %dma_wait3A_61 = arith.constant 0 : i32
        %dma_wait3A_62 = arith.constant 0 : i32
        %dma_wait3A_63 = tpu.memref_slice %arg3[%add3A, %scan3A_14, %dma_wait3A_61, %dma_wait3A_62] : memref<32x2x40x125xi32, #tpu.memory_space<hbm>> -> memref<1x1x40x125xi32, #tpu.memory_space<hbm>>
        %dma_wait3A_64 = tpu.memref_squeeze %dma_wait3A_63 : memref<1x1x40x125xi32, #tpu.memory_space<hbm>> -> memref<40x125xi32, #tpu.memory_space<hbm>>
        tpu.wait_dma2 semaphore(%run_scoped3A_48 : memref<!tpu.dma_semaphore, #tpu.memory_space<semaphore_mem>>) src(%dma_wait3A_64 : memref<40x125xi32, #tpu.memory_space<hbm>>) dst(%arg7 : memref<40x125xi32, #tpu.memory_space<vmem>>)
        tpu.yield
      }) : () -> ()
      "tpu.region"() ({
        %run_scoped3A_48 = tpu.sem_alloc : memref<!tpu.dma_semaphore, #tpu.memory_space<semaphore_mem>>
        %dma_start3A_49 = arith.constant 0 : i32
        %dma_start3A_50 = arith.constant 0 : i32
        %dma_start3A_51 = tpu.memref_slice %arg4[%add3A, %scan3A_14, %dma_start3A_49, %dma_start3A_50] : memref<32x2x40x125xi32, #tpu.memory_space<hbm>> -> memref<1x1x40x125xi32, #tpu.memory_space<hbm>>
        %dma_start3A_52 = tpu.memref_squeeze %dma_start3A_51 : memref<1x1x40x125xi32, #tpu.memory_space<hbm>> -> memref<40x125xi32, #tpu.memory_space<hbm>>
        %dma_start3A_53 = arith.constant 0 : i32
        %dma_start3A_54 = arith.constant 0 : i32
        %dma_start3A_55 = tpu.memref_slice %arg4[%add3A, %scan3A_14, %dma_start3A_53, %dma_start3A_54] : memref<32x2x40x125xi32, #tpu.memory_space<hbm>> -> memref<1x1x40x125xi32, #tpu.memory_space<hbm>>
        %dma_start3A_56 = tpu.memref_squeeze %dma_start3A_55 : memref<1x1x40x125xi32, #tpu.memory_space<hbm>> -> memref<40x125xi32, #tpu.memory_space<hbm>>
        tpu.enqueue_dma source(%dma_start3A_56 : memref<40x125xi32, #tpu.memory_space<hbm>>) target(%arg8 : memref<40x125xi32, #tpu.memory_space<vmem>>) target_semaphore(%run_scoped3A_48 : memref<!tpu.dma_semaphore, #tpu.memory_space<semaphore_mem>>)
        %dma_wait3A_57 = arith.constant 0 : i32
        %dma_wait3A_58 = arith.constant 0 : i32
        %dma_wait3A_59 = tpu.memref_slice %arg4[%add3A, %scan3A_14, %dma_wait3A_57, %dma_wait3A_58] : memref<32x2x40x125xi32, #tpu.memory_space<hbm>> -> memref<1x1x40x125xi32, #tpu.memory_space<hbm>>
        %dma_wait3A_60 = tpu.memref_squeeze %dma_wait3A_59 : memref<1x1x40x125xi32, #tpu.memory_space<hbm>> -> memref<40x125xi32, #tpu.memory_space<hbm>>
        %dma_wait3A_61 = arith.constant 0 : i32
        %dma_wait3A_62 = arith.constant 0 : i32
        %dma_wait3A_63 = tpu.memref_slice %arg4[%add3A, %scan3A_14, %dma_wait3A_61, %dma_wait3A_62] : memref<32x2x40x125xi32, #tpu.memory_space<hbm>> -> memref<1x1x40x125xi32, #tpu.memory_space<hbm>>
        %dma_wait3A_64 = tpu.memref_squeeze %dma_wait3A_63 : memref<1x1x40x125xi32, #tpu.memory_space<hbm>> -> memref<40x125xi32, #tpu.memory_space<hbm>>
        tpu.wait_dma2 semaphore(%run_scoped3A_48 : memref<!tpu.dma_semaphore, #tpu.memory_space<semaphore_mem>>) src(%dma_wait3A_64 : memref<40x125xi32, #tpu.memory_space<hbm>>) dst(%arg8 : memref<40x125xi32, #tpu.memory_space<vmem>>)
        tpu.yield
      }) : () -> ()
      %dma_start3A = arith.constant 0 : i32
      %dma_start3A_15 = arith.constant 0 : i32
      %dma_start3A_16 = tpu.memref_slice %arg7[%dma_start3A, %dma_start3A_15] : memref<40x125xi32, #tpu.memory_space<vmem>> -> memref<1x125xi32, #tpu.memory_space<vmem>>
      %dma_start3A_17 = tpu.memref_squeeze %dma_start3A_16 : memref<1x125xi32, #tpu.memory_space<vmem>> -> memref<125xi32, #tpu.memory_space<vmem>>
      %dma_start3A_18 = arith.constant 0 : i32
      %dma_start3A_19 = arith.constant 0 : i32
      %dma_start3A_20 = tpu.memref_slice %arg2[%dma_start3A_18, %dma_start3A_19] : memref<10000x128xf32, #tpu.memory_space<hbm>> -> memref<10000x128xf32, #tpu.memory_space<hbm>>
      tpu.enqueue_indirect_dma source(%dma_start3A_20 : memref<10000x128xf32, #tpu.memory_space<hbm>>) target(%arg9 : memref<125x128xf32, #tpu.memory_space<vmem>>) offsets(%dma_start3A_17 : memref<125xi32, #tpu.memory_space<vmem>>) semaphore(%arg12 : memref<!tpu.dma_semaphore, #tpu.memory_space<semaphore_mem>>)
      %dma_start3A_21 = arith.constant 1 : i32
      %dma_start3A_22 = arith.constant 0 : i32
      %dma_start3A_23 = tpu.memref_slice %arg7[%dma_start3A_21, %dma_start3A_22] : memref<40x125xi32, #tpu.memory_space<vmem>> -> memref<1x125xi32, #tpu.memory_space<vmem>>
      %dma_start3A_24 = tpu.memref_squeeze %dma_start3A_23 : memref<1x125xi32, #tpu.memory_space<vmem>> -> memref<125xi32, #tpu.memory_space<vmem>>
      %dma_start3A_25 = arith.constant 0 : i32
      %dma_start3A_26 = arith.constant 0 : i32
      %dma_start3A_27 = tpu.memref_slice %arg2[%dma_start3A_25, %dma_start3A_26] : memref<10000x128xf32, #tpu.memory_space<hbm>> -> memref<10000x128xf32, #tpu.memory_space<hbm>>
      tpu.enqueue_indirect_dma source(%dma_start3A_27 : memref<10000x128xf32, #tpu.memory_space<hbm>>) target(%arg10 : memref<125x128xf32, #tpu.memory_space<vmem>>) offsets(%dma_start3A_24 : memref<125xi32, #tpu.memory_space<vmem>>) semaphore(%arg13 : memref<!tpu.dma_semaphore, #tpu.memory_space<semaphore_mem>>)
      %scan3A_28 = arith.constant 0 : i32
      %scan3A_29 = arith.constant 0 : i32
      %scan3A_30 = arith.constant 19 : i32
      %scan3A_31 = arith.addi %scan3A_29, %scan3A_30 : i32
      %scan3A_32 = arith.constant 1 : i32
      scf.for %scan3A_48 = %scan3A_29 to %scan3A_31 step %scan3A_32  : i32 {
        %mul3A_49 = arith.constant 2 : i32
        %mul3A_50 = arith.muli %mul3A_49, %scan3A_48 : i32
        %dma_wait3A_51 = arith.constant 0 : i32
        %dma_wait3A_52 = tpu.memref_slice %arg7[%mul3A_50, %dma_wait3A_51] : memref<40x125xi32, #tpu.memory_space<vmem>> -> memref<1x125xi32, #tpu.memory_space<vmem>>
        %dma_wait3A_53 = tpu.memref_squeeze %dma_wait3A_52 : memref<1x125xi32, #tpu.memory_space<vmem>> -> memref<125xi32, #tpu.memory_space<vmem>>
        %dma_wait3A_54 = arith.constant 0 : i32
        %dma_wait3A_55 = arith.constant 0 : i32
        %dma_wait3A_56 = tpu.memref_slice %arg2[%dma_wait3A_54, %dma_wait3A_55] : memref<10000x128xf32, #tpu.memory_space<hbm>> -> memref<10000x128xf32, #tpu.memory_space<hbm>>
        tpu.wait_indirect_dma semaphore(%arg12 : memref<!tpu.dma_semaphore, #tpu.memory_space<semaphore_mem>>) src(%dma_wait3A_56 : memref<10000x128xf32, #tpu.memory_space<hbm>>) dst(%arg9 : memref<125x128xf32, #tpu.memory_space<vmem>>)
        "tpu.region"() ({
          %run_scoped3A_83 = tpu.sem_alloc : memref<!tpu.dma_semaphore, #tpu.memory_space<semaphore_mem>>
          %dma_start3A_84 = arith.constant 0 : i32
          %dma_start3A_85 = tpu.memref_slice %arg8[%mul3A_50, %dma_start3A_84] : memref<40x125xi32, #tpu.memory_space<vmem>> -> memref<1x125xi32, #tpu.memory_space<vmem>>
          %dma_start3A_86 = tpu.memref_squeeze %dma_start3A_85 : memref<1x125xi32, #tpu.memory_space<vmem>> -> memref<125xi32, #tpu.memory_space<vmem>>
          %dma_start3A_87 = arith.constant 0 : i32
          %dma_start3A_88 = arith.constant 0 : i32
          %dma_start3A_89 = tpu.memref_slice %arg11[%dma_start3A_87, %dma_start3A_88] : memref<10240x128xf32, #tpu.memory_space<vmem_shared>> -> memref<10240x128xf32, #tpu.memory_space<vmem_shared>>
          tpu.enqueue_indirect_dma source(%arg9 : memref<125x128xf32, #tpu.memory_space<vmem>>) target(%dma_start3A_89 : memref<10240x128xf32, #tpu.memory_space<vmem_shared>>) offsets(%dma_start3A_86 : memref<125xi32, #tpu.memory_space<vmem>>) semaphore(%run_scoped3A_83 : memref<!tpu.dma_semaphore, #tpu.memory_space<semaphore_mem>>) {add = true}
          %dma_wait3A_90 = arith.constant 0 : i32
          %dma_wait3A_91 = tpu.memref_slice %arg8[%mul3A_50, %dma_wait3A_90] : memref<40x125xi32, #tpu.memory_space<vmem>> -> memref<1x125xi32, #tpu.memory_space<vmem>>
          %dma_wait3A_92 = tpu.memref_squeeze %dma_wait3A_91 : memref<1x125xi32, #tpu.memory_space<vmem>> -> memref<125xi32, #tpu.memory_space<vmem>>
          %dma_wait3A_93 = arith.constant 0 : i32
          %dma_wait3A_94 = arith.constant 0 : i32
          %dma_wait3A_95 = tpu.memref_slice %arg11[%dma_wait3A_93, %dma_wait3A_94] : memref<10240x128xf32, #tpu.memory_space<vmem_shared>> -> memref<10240x128xf32, #tpu.memory_space<vmem_shared>>
          tpu.wait_indirect_dma semaphore(%run_scoped3A_83 : memref<!tpu.dma_semaphore, #tpu.memory_space<semaphore_mem>>) src(%arg9 : memref<125x128xf32, #tpu.memory_space<vmem>>) dst(%dma_wait3A_95 : memref<10240x128xf32, #tpu.memory_space<vmem_shared>>)
          tpu.yield
        }) : () -> ()
        %add3A_57 = arith.constant 2 : i32
        %add3A_58 = arith.addi %mul3A_50, %add3A_57 : i32
        %dma_start3A_59 = arith.constant 0 : i32
        %dma_start3A_60 = tpu.memref_slice %arg7[%add3A_58, %dma_start3A_59] : memref<40x125xi32, #tpu.memory_space<vmem>> -> memref<1x125xi32, #tpu.memory_space<vmem>>
        %dma_start3A_61 = tpu.memref_squeeze %dma_start3A_60 : memref<1x125xi32, #tpu.memory_space<vmem>> -> memref<125xi32, #tpu.memory_space<vmem>>
        %dma_start3A_62 = arith.constant 0 : i32
        %dma_start3A_63 = arith.constant 0 : i32
        %dma_start3A_64 = tpu.memref_slice %arg2[%dma_start3A_62, %dma_start3A_63] : memref<10000x128xf32, #tpu.memory_space<hbm>> -> memref<10000x128xf32, #tpu.memory_space<hbm>>
        tpu.enqueue_indirect_dma source(%dma_start3A_64 : memref<10000x128xf32, #tpu.memory_space<hbm>>) target(%arg9 : memref<125x128xf32, #tpu.memory_space<vmem>>) offsets(%dma_start3A_61 : memref<125xi32, #tpu.memory_space<vmem>>) semaphore(%arg12 : memref<!tpu.dma_semaphore, #tpu.memory_space<semaphore_mem>>)
        %add3A_65 = arith.constant 1 : i32
        %add3A_66 = arith.addi %mul3A_50, %add3A_65 : i32
        %dma_wait3A_67 = arith.constant 0 : i32
        %dma_wait3A_68 = tpu.memref_slice %arg7[%add3A_66, %dma_wait3A_67] : memref<40x125xi32, #tpu.memory_space<vmem>> -> memref<1x125xi32, #tpu.memory_space<vmem>>
        %dma_wait3A_69 = tpu.memref_squeeze %dma_wait3A_68 : memref<1x125xi32, #tpu.memory_space<vmem>> -> memref<125xi32, #tpu.memory_space<vmem>>
        %dma_wait3A_70 = arith.constant 0 : i32
        %dma_wait3A_71 = arith.constant 0 : i32
        %dma_wait3A_72 = tpu.memref_slice %arg2[%dma_wait3A_70, %dma_wait3A_71] : memref<10000x128xf32, #tpu.memory_space<hbm>> -> memref<10000x128xf32, #tpu.memory_space<hbm>>
        tpu.wait_indirect_dma semaphore(%arg13 : memref<!tpu.dma_semaphore, #tpu.memory_space<semaphore_mem>>) src(%dma_wait3A_72 : memref<10000x128xf32, #tpu.memory_space<hbm>>) dst(%arg10 : memref<125x128xf32, #tpu.memory_space<vmem>>)
        %add3A_73 = arith.constant 1 : i32
        %add3A_74 = arith.addi %mul3A_50, %add3A_73 : i32
        "tpu.region"() ({
          %run_scoped3A_83 = tpu.sem_alloc : memref<!tpu.dma_semaphore, #tpu.memory_space<semaphore_mem>>
          %dma_start3A_84 = arith.constant 0 : i32
          %dma_start3A_85 = tpu.memref_slice %arg8[%add3A_74, %dma_start3A_84] : memref<40x125xi32, #tpu.memory_space<vmem>> -> memref<1x125xi32, #tpu.memory_space<vmem>>
          %dma_start3A_86 = tpu.memref_squeeze %dma_start3A_85 : memref<1x125xi32, #tpu.memory_space<vmem>> -> memref<125xi32, #tpu.memory_space<vmem>>
          %dma_start3A_87 = arith.constant 0 : i32
          %dma_start3A_88 = arith.constant 0 : i32
          %dma_start3A_89 = tpu.memref_slice %arg11[%dma_start3A_87, %dma_start3A_88] : memref<10240x128xf32, #tpu.memory_space<vmem_shared>> -> memref<10240x128xf32, #tpu.memory_space<vmem_shared>>
          tpu.enqueue_indirect_dma source(%arg10 : memref<125x128xf32, #tpu.memory_space<vmem>>) target(%dma_start3A_89 : memref<10240x128xf32, #tpu.memory_space<vmem_shared>>) offsets(%dma_start3A_86 : memref<125xi32, #tpu.memory_space<vmem>>) semaphore(%run_scoped3A_83 : memref<!tpu.dma_semaphore, #tpu.memory_space<semaphore_mem>>) {add = true}
          %dma_wait3A_90 = arith.constant 0 : i32
          %dma_wait3A_91 = tpu.memref_slice %arg8[%add3A_74, %dma_wait3A_90] : memref<40x125xi32, #tpu.memory_space<vmem>> -> memref<1x125xi32, #tpu.memory_space<vmem>>
          %dma_wait3A_92 = tpu.memref_squeeze %dma_wait3A_91 : memref<1x125xi32, #tpu.memory_space<vmem>> -> memref<125xi32, #tpu.memory_space<vmem>>
          %dma_wait3A_93 = arith.constant 0 : i32
          %dma_wait3A_94 = arith.constant 0 : i32
          %dma_wait3A_95 = tpu.memref_slice %arg11[%dma_wait3A_93, %dma_wait3A_94] : memref<10240x128xf32, #tpu.memory_space<vmem_shared>> -> memref<10240x128xf32, #tpu.memory_space<vmem_shared>>
          tpu.wait_indirect_dma semaphore(%run_scoped3A_83 : memref<!tpu.dma_semaphore, #tpu.memory_space<semaphore_mem>>) src(%arg10 : memref<125x128xf32, #tpu.memory_space<vmem>>) dst(%dma_wait3A_95 : memref<10240x128xf32, #tpu.memory_space<vmem_shared>>)
          tpu.yield
        }) : () -> ()
        %add3A_75 = arith.constant 3 : i32
        %add3A_76 = arith.addi %mul3A_50, %add3A_75 : i32
        %dma_start3A_77 = arith.constant 0 : i32
        %dma_start3A_78 = tpu.memref_slice %arg7[%add3A_76, %dma_start3A_77] : memref<40x125xi32, #tpu.memory_space<vmem>> -> memref<1x125xi32, #tpu.memory_space<vmem>>
        %dma_start3A_79 = tpu.memref_squeeze %dma_start3A_78 : memref<1x125xi32, #tpu.memory_space<vmem>> -> memref<125xi32, #tpu.memory_space<vmem>>
        %dma_start3A_80 = arith.constant 0 : i32
        %dma_start3A_81 = arith.constant 0 : i32
        %dma_start3A_82 = tpu.memref_slice %arg2[%dma_start3A_80, %dma_start3A_81] : memref<10000x128xf32, #tpu.memory_space<hbm>> -> memref<10000x128xf32, #tpu.memory_space<hbm>>
        tpu.enqueue_indirect_dma source(%dma_start3A_82 : memref<10000x128xf32, #tpu.memory_space<hbm>>) target(%arg10 : memref<125x128xf32, #tpu.memory_space<vmem>>) offsets(%dma_start3A_79 : memref<125xi32, #tpu.memory_space<vmem>>) semaphore(%arg13 : memref<!tpu.dma_semaphore, #tpu.memory_space<semaphore_mem>>)
      }
      %scan3A_33 = arith.constant 19 : i32
      %dma_wait3A = arith.constant 38 : i32
      %dma_wait3A_34 = arith.constant 0 : i32
      %dma_wait3A_35 = tpu.memref_slice %arg7[%dma_wait3A, %dma_wait3A_34] : memref<40x125xi32, #tpu.memory_space<vmem>> -> memref<1x125xi32, #tpu.memory_space<vmem>>
      %dma_wait3A_36 = tpu.memref_squeeze %dma_wait3A_35 : memref<1x125xi32, #tpu.memory_space<vmem>> -> memref<125xi32, #tpu.memory_space<vmem>>
      %dma_wait3A_37 = arith.constant 0 : i32
      %dma_wait3A_38 = arith.constant 0 : i32
      %dma_wait3A_39 = tpu.memref_slice %arg2[%dma_wait3A_37, %dma_wait3A_38] : memref<10000x128xf32, #tpu.memory_space<hbm>> -> memref<10000x128xf32, #tpu.memory_space<hbm>>
      tpu.wait_indirect_dma semaphore(%arg12 : memref<!tpu.dma_semaphore, #tpu.memory_space<semaphore_mem>>) src(%dma_wait3A_39 : memref<10000x128xf32, #tpu.memory_space<hbm>>) dst(%arg9 : memref<125x128xf32, #tpu.memory_space<vmem>>)
      %run_scoped3A = arith.constant 38 : i32
      "tpu.region"() ({
        %run_scoped3A_48 = tpu.sem_alloc : memref<!tpu.dma_semaphore, #tpu.memory_space<semaphore_mem>>
        %dma_start3A_49 = arith.constant 0 : i32
        %dma_start3A_50 = tpu.memref_slice %arg8[%run_scoped3A, %dma_start3A_49] : memref<40x125xi32, #tpu.memory_space<vmem>> -> memref<1x125xi32, #tpu.memory_space<vmem>>
        %dma_start3A_51 = tpu.memref_squeeze %dma_start3A_50 : memref<1x125xi32, #tpu.memory_space<vmem>> -> memref<125xi32, #tpu.memory_space<vmem>>
        %dma_start3A_52 = arith.constant 0 : i32
        %dma_start3A_53 = arith.constant 0 : i32
        %dma_start3A_54 = tpu.memref_slice %arg11[%dma_start3A_52, %dma_start3A_53] : memref<10240x128xf32, #tpu.memory_space<vmem_shared>> -> memref<10240x128xf32, #tpu.memory_space<vmem_shared>>
        tpu.enqueue_indirect_dma source(%arg9 : memref<125x128xf32, #tpu.memory_space<vmem>>) target(%dma_start3A_54 : memref<10240x128xf32, #tpu.memory_space<vmem_shared>>) offsets(%dma_start3A_51 : memref<125xi32, #tpu.memory_space<vmem>>) semaphore(%run_scoped3A_48 : memref<!tpu.dma_semaphore, #tpu.memory_space<semaphore_mem>>) {add = true}
        %dma_wait3A_55 = arith.constant 0 : i32
        %dma_wait3A_56 = tpu.memref_slice %arg8[%run_scoped3A, %dma_wait3A_55] : memref<40x125xi32, #tpu.memory_space<vmem>> -> memref<1x125xi32, #tpu.memory_space<vmem>>
        %dma_wait3A_57 = tpu.memref_squeeze %dma_wait3A_56 : memref<1x125xi32, #tpu.memory_space<vmem>> -> memref<125xi32, #tpu.memory_space<vmem>>
        %dma_wait3A_58 = arith.constant 0 : i32
        %dma_wait3A_59 = arith.constant 0 : i32
        %dma_wait3A_60 = tpu.memref_slice %arg11[%dma_wait3A_58, %dma_wait3A_59] : memref<10240x128xf32, #tpu.memory_space<vmem_shared>> -> memref<10240x128xf32, #tpu.memory_space<vmem_shared>>
        tpu.wait_indirect_dma semaphore(%run_scoped3A_48 : memref<!tpu.dma_semaphore, #tpu.memory_space<semaphore_mem>>) src(%arg9 : memref<125x128xf32, #tpu.memory_space<vmem>>) dst(%dma_wait3A_60 : memref<10240x128xf32, #tpu.memory_space<vmem_shared>>)
        tpu.yield
      }) : () -> ()
      %dma_wait3A_40 = arith.constant 39 : i32
      %dma_wait3A_41 = arith.constant 0 : i32
      %dma_wait3A_42 = tpu.memref_slice %arg7[%dma_wait3A_40, %dma_wait3A_41] : memref<40x125xi32, #tpu.memory_space<vmem>> -> memref<1x125xi32, #tpu.memory_space<vmem>>
      %dma_wait3A_43 = tpu.memref_squeeze %dma_wait3A_42 : memref<1x125xi32, #tpu.memory_space<vmem>> -> memref<125xi32, #tpu.memory_space<vmem>>
      %dma_wait3A_44 = arith.constant 0 : i32
      %dma_wait3A_45 = arith.constant 0 : i32
      %dma_wait3A_46 = tpu.memref_slice %arg2[%dma_wait3A_44, %dma_wait3A_45] : memref<10000x128xf32, #tpu.memory_space<hbm>> -> memref<10000x128xf32, #tpu.memory_space<hbm>>
      tpu.wait_indirect_dma semaphore(%arg13 : memref<!tpu.dma_semaphore, #tpu.memory_space<semaphore_mem>>) src(%dma_wait3A_46 : memref<10000x128xf32, #tpu.memory_space<hbm>>) dst(%arg10 : memref<125x128xf32, #tpu.memory_space<vmem>>)
      %run_scoped3A_47 = arith.constant 39 : i32
      "tpu.region"() ({
        %run_scoped3A_48 = tpu.sem_alloc : memref<!tpu.dma_semaphore, #tpu.memory_space<semaphore_mem>>
        %dma_start3A_49 = arith.constant 0 : i32
        %dma_start3A_50 = tpu.memref_slice %arg8[%run_scoped3A_47, %dma_start3A_49] : memref<40x125xi32, #tpu.memory_space<vmem>> -> memref<1x125xi32, #tpu.memory_space<vmem>>
        %dma_start3A_51 = tpu.memref_squeeze %dma_start3A_50 : memref<1x125xi32, #tpu.memory_space<vmem>> -> memref<125xi32, #tpu.memory_space<vmem>>
        %dma_start3A_52 = arith.constant 0 : i32
        %dma_start3A_53 = arith.constant 0 : i32
        %dma_start3A_54 = tpu.memref_slice %arg11[%dma_start3A_52, %dma_start3A_53] : memref<10240x128xf32, #tpu.memory_space<vmem_shared>> -> memref<10240x128xf32, #tpu.memory_space<vmem_shared>>
        tpu.enqueue_indirect_dma source(%arg10 : memref<125x128xf32, #tpu.memory_space<vmem>>) target(%dma_start3A_54 : memref<10240x128xf32, #tpu.memory_space<vmem_shared>>) offsets(%dma_start3A_51 : memref<125xi32, #tpu.memory_space<vmem>>) semaphore(%run_scoped3A_48 : memref<!tpu.dma_semaphore, #tpu.memory_space<semaphore_mem>>) {add = true}
        %dma_wait3A_55 = arith.constant 0 : i32
        %dma_wait3A_56 = tpu.memref_slice %arg8[%run_scoped3A_47, %dma_wait3A_55] : memref<40x125xi32, #tpu.memory_space<vmem>> -> memref<1x125xi32, #tpu.memory_space<vmem>>
        %dma_wait3A_57 = tpu.memref_squeeze %dma_wait3A_56 : memref<1x125xi32, #tpu.memory_space<vmem>> -> memref<125xi32, #tpu.memory_space<vmem>>
        %dma_wait3A_58 = arith.constant 0 : i32
        %dma_wait3A_59 = arith.constant 0 : i32
        %dma_wait3A_60 = tpu.memref_slice %arg11[%dma_wait3A_58, %dma_wait3A_59] : memref<10240x128xf32, #tpu.memory_space<vmem_shared>> -> memref<10240x128xf32, #tpu.memory_space<vmem_shared>>
        tpu.wait_indirect_dma semaphore(%run_scoped3A_48 : memref<!tpu.dma_semaphore, #tpu.memory_space<semaphore_mem>>) src(%arg10 : memref<125x128xf32, #tpu.memory_space<vmem>>) dst(%dma_wait3A_60 : memref<10240x128xf32, #tpu.memory_space<vmem_shared>>)
        tpu.yield
      }) : () -> ()
    }
    %scan3A_7 = arith.constant 2 : i32
    %barrier3A_8 = arith.constant 0 : index
    tpu.barrier barrier_id(%barrier3A_8)
    %mul3A_9 = arith.constant 640 : i32
    %mul3A_10 = arith.muli %arg1, %mul3A_9 : i32
    %mul3A_11 = arith.constant 16 : i32
    %mul3A_12 = arith.muli %arg0, %mul3A_11 : i32
    %add3A_13 = arith.addi %mul3A_12, %arg1 : i32
    "tpu.region"() ({
      %run_scoped3A = tpu.sem_alloc : memref<!tpu.dma_semaphore, #tpu.memory_space<semaphore_mem>>
      %dma_start3A = arith.constant 0 : i32
      %dma_start3A_14 = arith.constant 0 : i32
      %dma_start3A_15 = tpu.memref_slice %arg6[%add3A_13, %dma_start3A, %dma_start3A_14] : memref<32x640x128xf32, #tpu.memory_space<hbm>> -> memref<1x640x128xf32, #tpu.memory_space<hbm>>
      %dma_start3A_16 = tpu.memref_squeeze %dma_start3A_15 : memref<1x640x128xf32, #tpu.memory_space<hbm>> -> memref<640x128xf32, #tpu.memory_space<hbm>>
      %dma_start3A_17 = arith.constant 0 : i32
      %dma_start3A_18 = tpu.memref_slice %arg11[%mul3A_10, %dma_start3A_17] : memref<10240x128xf32, #tpu.memory_space<vmem_shared>> -> memref<640x128xf32, #tpu.memory_space<vmem_shared>>
      tpu.enqueue_dma source(%dma_start3A_18 : memref<640x128xf32, #tpu.memory_space<vmem_shared>>) target(%dma_start3A_16 : memref<640x128xf32, #tpu.memory_space<hbm>>) target_semaphore(%run_scoped3A : memref<!tpu.dma_semaphore, #tpu.memory_space<semaphore_mem>>)
      %dma_wait3A = arith.constant 0 : i32
      %dma_wait3A_19 = arith.constant 0 : i32
      %dma_wait3A_20 = tpu.memref_slice %arg6[%add3A_13, %dma_wait3A, %dma_wait3A_19] : memref<32x640x128xf32, #tpu.memory_space<hbm>> -> memref<1x640x128xf32, #tpu.memory_space<hbm>>
      %dma_wait3A_21 = tpu.memref_squeeze %dma_wait3A_20 : memref<1x640x128xf32, #tpu.memory_space<hbm>> -> memref<640x128xf32, #tpu.memory_space<hbm>>
      %dma_wait3A_22 = arith.constant 0 : i32
      %dma_wait3A_23 = tpu.memref_slice %arg11[%mul3A_10, %dma_wait3A_22] : memref<10240x128xf32, #tpu.memory_space<vmem_shared>> -> memref<640x128xf32, #tpu.memory_space<vmem_shared>>
      tpu.wait_dma2 semaphore(%run_scoped3A : memref<!tpu.dma_semaphore, #tpu.memory_space<semaphore_mem>>) src(%dma_wait3A_23 : memref<640x128xf32, #tpu.memory_space<vmem_shared>>) dst(%dma_wait3A_21 : memref<640x128xf32, #tpu.memory_space<hbm>>)
      tpu.yield
    }) : () -> ()
    return
  }
}

#map = affine_map<(d0, d1) -> (0, 0)>
#map1 = affine_map<(d0, d1) -> (0, 0, 0, 0)>
#map2 = affine_map<(d0, d1) -> (0, 0, 0)>
module attributes {stable_mosaic.version = 14 : i64} {
  func.func @k(%arg0: i32, %arg1: i32, %arg2: memref<10000x128xf32, #tpu.memory_space<hbm>>, %arg3: memref<32x2x40x125xi32, #tpu.memory_space<hbm>>, %arg4: memref<32x2x40x125xi32, #tpu.memory_space<hbm>>, %arg5: memref<640x128xf32, #tpu.memory_space<hbm>>, %arg6: memref<32x640x128xf32, #tpu.memory_space<hbm>>, %arg7: memref<40x125xi32, #tpu.memory_space<vmem>>, %arg8: memref<40x125xi32, #tpu.memory_space<vmem>>, %arg9: memref<125x128xf32, #tpu.memory_space<vmem>>, %arg10: memref<125x128xf32, #tpu.memory_space<vmem>>, %arg11: memref<10240x128xf32, #tpu.memory_space<vmem_shared>>, %arg12: memref<!tpu.dma_semaphore, #tpu.memory_space<semaphore_mem>>, %arg13: memref<!tpu.dma_semaphore, #tpu.memory_space<semaphore_mem>>) attributes {dimension_semantics = [#tpu.dimension_semantics<core_parallel>, #tpu.dimension_semantics<subcore_parallel>], iteration_bounds = array<i64: 2, 16>, scalar_prefetch = 0 : i64, scratch_operands = 7 : i64, tpu.core_type = #tpu.core_type<sc_vector_subcore>, window_params = [{transform_indices = #map}, {transform_indices = #map1}, {transform_indices = #map1}, {transform_indices = #map}, {transform_indices = #map2}]} {
    %mul3A = arith.constant 2 : i32
    %mul3A_0 = arith.muli %arg1, %mul3A : i32
    %add3A = arith.addi %mul3A_0, %arg0 : i32
    %mul3A_1 = arith.constant 640 : i32
    %mul3A_2 = arith.muli %arg1, %mul3A_1 : i32
    "tpu.region"() ({
      %run_scoped3A = tpu.sem_alloc : memref<!tpu.dma_semaphore, #tpu.memory_space<semaphore_mem>>
      %dma_start3A = arith.constant 0 : i32
      %dma_start3A_14 = tpu.memref_slice %arg11[%mul3A_2, %dma_start3A] : memref<10240x128xf32, #tpu.memory_space<vmem_shared>> -> memref<640x128xf32, #tpu.memory_space<vmem_shared>>
      tpu.enqueue_dma source(%arg5 : memref<640x128xf32, #tpu.memory_space<hbm>>) target(%dma_start3A_14 : memref<640x128xf32, #tpu.memory_space<vmem_shared>>) target_semaphore(%run_scoped3A : memref<!tpu.dma_semaphore, #tpu.memory_space<semaphore_mem>>)
      %dma_wait3A = arith.constant 0 : i32
      %dma_wait3A_15 = tpu.memref_slice %arg11[%mul3A_2, %dma_wait3A] : memref<10240x128xf32, #tpu.memory_space<vmem_shared>> -> memref<640x128xf32, #tpu.memory_space<vmem_shared>>
      tpu.wait_dma2 semaphore(%run_scoped3A : memref<!tpu.dma_semaphore, #tpu.memory_space<semaphore_mem>>) src(%arg5 : memref<640x128xf32, #tpu.memory_space<hbm>>) dst(%dma_wait3A_15 : memref<640x128xf32, #tpu.memory_space<vmem_shared>>)
      tpu.yield
    }) : () -> ()
    %barrier3A = arith.constant 0 : index
    tpu.barrier barrier_id(%barrier3A)
    %scan3A = arith.constant 0 : i32
    %scan3A_3 = arith.constant 0 : i32
    %scan3A_4 = arith.constant 2 : i32
    %scan3A_5 = arith.addi %scan3A_3, %scan3A_4 : i32
    %scan3A_6 = arith.constant 1 : i32
    scf.for %scan3A_14 = %scan3A_3 to %scan3A_5 step %scan3A_6  : i32 {
      "tpu.region"() ({
        %run_scoped3A_48 = tpu.sem_alloc : memref<!tpu.dma_semaphore, #tpu.memory_space<semaphore_mem>>
        %dma_start3A_49 = arith.constant 0 : i32
        %dma_start3A_50 = arith.constant 0 : i32
        %dma_start3A_51 = tpu.memref_slice %arg3[%add3A, %scan3A_14, %dma_start3A_49, %dma_start3A_50] : memref<32x2x40x125xi32, #tpu.memory_space<hbm>> -> memref<1x1x40x125xi32, #tpu.memory_space<hbm>>
        %dma_start3A_52 = tpu.memref_squeeze %dma_start3A_51 : memref<1x1x40x125xi32, #tpu.memory_space<hbm>> -> memref<40x125xi32, #tpu.memory_space<hbm>>
        %dma_start3A_53 = arith.constant 0 : i32
        %dma_start3A_54 = arith.constant 0 : i32
        %dma_start3A_55 = tpu.memref_slice %arg3[%add3A, %scan3A_14, %dma_start3A_53, %dma_start3A_54] : memref<32x2x40x125xi32, #tpu.memory_space<hbm>> -> memref<1x1x40x125xi32, #tpu.memory_space<hbm>>
        %dma_start3A_56 = tpu.memref_squeeze %dma_start3A_55 : memref<1x1x40x125xi32, #tpu.memory_space<hbm>> -> memref<40x125xi32, #tpu.memory_space<hbm>>
        tpu.enqueue_dma source(%dma_start3A_56 : memref<40x125xi32, #tpu.memory_space<hbm>>) target(%arg7 : memref<40x125xi32, #tpu.memory_space<vmem>>) target_semaphore(%run_scoped3A_48 : memref<!tpu.dma_semaphore, #tpu.memory_space<semaphore_mem>>)
        %dma_wait3A_57 = arith.constant 0 : i32
        %dma_wait3A_58 = arith.constant 0 : i32
        %dma_wait3A_59 = tpu.memref_slice %arg3[%add3A, %scan3A_14, %dma_wait3A_57, %dma_wait3A_58] : memref<32x2x40x125xi32, #tpu.memory_space<hbm>> -> memref<1x1x40x125xi32, #tpu.memory_space<hbm>>
        %dma_wait3A_60 = tpu.memref_squeeze %dma_wait3A_59 : memref<1x1x40x125xi32, #tpu.memory_space<hbm>> -> memref<40x125xi32, #tpu.memory_space<hbm>>
        %dma_wait3A_61 = arith.constant 0 : i32
        %dma_wait3A_62 = arith.constant 0 : i32
        %dma_wait3A_63 = tpu.memref_slice %arg3[%add3A, %scan3A_14, %dma_wait3A_61, %dma_wait3A_62] : memref<32x2x40x125xi32, #tpu.memory_space<hbm>> -> memref<1x1x40x125xi32, #tpu.memory_space<hbm>>
        %dma_wait3A_64 = tpu.memref_squeeze %dma_wait3A_63 : memref<1x1x40x125xi32, #tpu.memory_space<hbm>> -> memref<40x125xi32, #tpu.memory_space<hbm>>
        tpu.wait_dma2 semaphore(%run_scoped3A_48 : memref<!tpu.dma_semaphore, #tpu.memory_space<semaphore_mem>>) src(%dma_wait3A_64 : memref<40x125xi32, #tpu.memory_space<hbm>>) dst(%arg7 : memref<40x125xi32, #tpu.memory_space<vmem>>)
        tpu.yield
      }) : () -> ()
      "tpu.region"() ({
        %run_scoped3A_48 = tpu.sem_alloc : memref<!tpu.dma_semaphore, #tpu.memory_space<semaphore_mem>>
        %dma_start3A_49 = arith.constant 0 : i32
        %dma_start3A_50 = arith.constant 0 : i32
        %dma_start3A_51 = tpu.memref_slice %arg4[%add3A, %scan3A_14, %dma_start3A_49, %dma_start3A_50] : memref<32x2x40x125xi32, #tpu.memory_space<hbm>> -> memref<1x1x40x125xi32, #tpu.memory_space<hbm>>
        %dma_start3A_52 = tpu.memref_squeeze %dma_start3A_51 : memref<1x1x40x125xi32, #tpu.memory_space<hbm>> -> memref<40x125xi32, #tpu.memory_space<hbm>>
        %dma_start3A_53 = arith.constant 0 : i32
        %dma_start3A_54 = arith.constant 0 : i32
        %dma_start3A_55 = tpu.memref_slice %arg4[%add3A, %scan3A_14, %dma_start3A_53, %dma_start3A_54] : memref<32x2x40x125xi32, #tpu.memory_space<hbm>> -> memref<1x1x40x125xi32, #tpu.memory_space<hbm>>
        %dma_start3A_56 = tpu.memref_squeeze %dma_start3A_55 : memref<1x1x40x125xi32, #tpu.memory_space<hbm>> -> memref<40x125xi32, #tpu.memory_space<hbm>>
        tpu.enqueue_dma source(%dma_start3A_56 : memref<40x125xi32, #tpu.memory_space<hbm>>) target(%arg8 : memref<40x125xi32, #tpu.memory_space<vmem>>) target_semaphore(%run_scoped3A_48 : memref<!tpu.dma_semaphore, #tpu.memory_space<semaphore_mem>>)
        %dma_wait3A_57 = arith.constant 0 : i32
        %dma_wait3A_58 = arith.constant 0 : i32
        %dma_wait3A_59 = tpu.memref_slice %arg4[%add3A, %scan3A_14, %dma_wait3A_57, %dma_wait3A_58] : memref<32x2x40x125xi32, #tpu.memory_space<hbm>> -> memref<1x1x40x125xi32, #tpu.memory_space<hbm>>
        %dma_wait3A_60 = tpu.memref_squeeze %dma_wait3A_59 : memref<1x1x40x125xi32, #tpu.memory_space<hbm>> -> memref<40x125xi32, #tpu.memory_space<hbm>>
        %dma_wait3A_61 = arith.constant 0 : i32
        %dma_wait3A_62 = arith.constant 0 : i32
        %dma_wait3A_63 = tpu.memref_slice %arg4[%add3A, %scan3A_14, %dma_wait3A_61, %dma_wait3A_62] : memref<32x2x40x125xi32, #tpu.memory_space<hbm>> -> memref<1x1x40x125xi32, #tpu.memory_space<hbm>>
        %dma_wait3A_64 = tpu.memref_squeeze %dma_wait3A_63 : memref<1x1x40x125xi32, #tpu.memory_space<hbm>> -> memref<40x125xi32, #tpu.memory_space<hbm>>
        tpu.wait_dma2 semaphore(%run_scoped3A_48 : memref<!tpu.dma_semaphore, #tpu.memory_space<semaphore_mem>>) src(%dma_wait3A_64 : memref<40x125xi32, #tpu.memory_space<hbm>>) dst(%arg8 : memref<40x125xi32, #tpu.memory_space<vmem>>)
        tpu.yield
      }) : () -> ()
      %dma_start3A = arith.constant 0 : i32
      %dma_start3A_15 = arith.constant 0 : i32
      %dma_start3A_16 = tpu.memref_slice %arg7[%dma_start3A, %dma_start3A_15] : memref<40x125xi32, #tpu.memory_space<vmem>> -> memref<1x125xi32, #tpu.memory_space<vmem>>
      %dma_start3A_17 = tpu.memref_squeeze %dma_start3A_16 : memref<1x125xi32, #tpu.memory_space<vmem>> -> memref<125xi32, #tpu.memory_space<vmem>>
      %dma_start3A_18 = arith.constant 0 : i32
      %dma_start3A_19 = arith.constant 0 : i32
      %dma_start3A_20 = tpu.memref_slice %arg2[%dma_start3A_18, %dma_start3A_19] : memref<10000x128xf32, #tpu.memory_space<hbm>> -> memref<10000x128xf32, #tpu.memory_space<hbm>>
      tpu.enqueue_indirect_dma source(%dma_start3A_20 : memref<10000x128xf32, #tpu.memory_space<hbm>>) target(%arg9 : memref<125x128xf32, #tpu.memory_space<vmem>>) offsets(%dma_start3A_17 : memref<125xi32, #tpu.memory_space<vmem>>) semaphore(%arg12 : memref<!tpu.dma_semaphore, #tpu.memory_space<semaphore_mem>>)
      %dma_start3A_21 = arith.constant 1 : i32
      %dma_start3A_22 = arith.constant 0 : i32
      %dma_start3A_23 = tpu.memref_slice %arg7[%dma_start3A_21, %dma_start3A_22] : memref<40x125xi32, #tpu.memory_space<vmem>> -> memref<1x125xi32, #tpu.memory_space<vmem>>
      %dma_start3A_24 = tpu.memref_squeeze %dma_start3A_23 : memref<1x125xi32, #tpu.memory_space<vmem>> -> memref<125xi32, #tpu.memory_space<vmem>>
      %dma_start3A_25 = arith.constant 0 : i32
      %dma_start3A_26 = arith.constant 0 : i32
      %dma_start3A_27 = tpu.memref_slice %arg2[%dma_start3A_25, %dma_start3A_26] : memref<10000x128xf32, #tpu.memory_space<hbm>> -> memref<10000x128xf32, #tpu.memory_space<hbm>>
      tpu.enqueue_indirect_dma source(%dma_start3A_27 : memref<10000x128xf32, #tpu.memory_space<hbm>>) target(%arg10 : memref<125x128xf32, #tpu.memory_space<vmem>>) offsets(%dma_start3A_24 : memref<125xi32, #tpu.memory_space<vmem>>) semaphore(%arg13 : memref<!tpu.dma_semaphore, #tpu.memory_space<semaphore_mem>>)
      %scan3A_28 = arith.constant 0 : i32
      %scan3A_29 = arith.constant 0 : i32
      %scan3A_30 = arith.constant 19 : i32
      %scan3A_31 = arith.addi %scan3A_29, %scan3A_30 : i32
      %scan3A_32 = arith.constant 1 : i32
      scf.for %scan3A_48 = %scan3A_29 to %scan3A_31 step %scan3A_32  : i32 {
        %mul3A_49 = arith.constant 2 : i32
        %mul3A_50 = arith.muli %mul3A_49, %scan3A_48 : i32
        %dma_wait3A_51 = arith.constant 0 : i32
        %dma_wait3A_52 = tpu.memref_slice %arg7[%mul3A_50, %dma_wait3A_51] : memref<40x125xi32, #tpu.memory_space<vmem>> -> memref<1x125xi32, #tpu.memory_space<vmem>>
        %dma_wait3A_53 = tpu.memref_squeeze %dma_wait3A_52 : memref<1x125xi32, #tpu.memory_space<vmem>> -> memref<125xi32, #tpu.memory_space<vmem>>
        %dma_wait3A_54 = arith.constant 0 : i32
        %dma_wait3A_55 = arith.constant 0 : i32
        %dma_wait3A_56 = tpu.memref_slice %arg2[%dma_wait3A_54, %dma_wait3A_55] : memref<10000x128xf32, #tpu.memory_space<hbm>> -> memref<10000x128xf32, #tpu.memory_space<hbm>>
        tpu.wait_indirect_dma semaphore(%arg12 : memref<!tpu.dma_semaphore, #tpu.memory_space<semaphore_mem>>) src(%dma_wait3A_56 : memref<10000x128xf32, #tpu.memory_space<hbm>>) dst(%arg9 : memref<125x128xf32, #tpu.memory_space<vmem>>)
        "tpu.region"() ({
          %run_scoped3A_83 = tpu.sem_alloc : memref<!tpu.dma_semaphore, #tpu.memory_space<semaphore_mem>>
          %dma_start3A_84 = arith.constant 0 : i32
          %dma_start3A_85 = tpu.memref_slice %arg8[%mul3A_50, %dma_start3A_84] : memref<40x125xi32, #tpu.memory_space<vmem>> -> memref<1x125xi32, #tpu.memory_space<vmem>>
          %dma_start3A_86 = tpu.memref_squeeze %dma_start3A_85 : memref<1x125xi32, #tpu.memory_space<vmem>> -> memref<125xi32, #tpu.memory_space<vmem>>
          %dma_start3A_87 = arith.constant 0 : i32
          %dma_start3A_88 = arith.constant 0 : i32
          %dma_start3A_89 = tpu.memref_slice %arg11[%dma_start3A_87, %dma_start3A_88] : memref<10240x128xf32, #tpu.memory_space<vmem_shared>> -> memref<10240x128xf32, #tpu.memory_space<vmem_shared>>
          tpu.enqueue_indirect_dma source(%arg9 : memref<125x128xf32, #tpu.memory_space<vmem>>) target(%dma_start3A_89 : memref<10240x128xf32, #tpu.memory_space<vmem_shared>>) offsets(%dma_start3A_86 : memref<125xi32, #tpu.memory_space<vmem>>) semaphore(%run_scoped3A_83 : memref<!tpu.dma_semaphore, #tpu.memory_space<semaphore_mem>>) {add = true}
          %dma_wait3A_90 = arith.constant 0 : i32
          %dma_wait3A_91 = tpu.memref_slice %arg8[%mul3A_50, %dma_wait3A_90] : memref<40x125xi32, #tpu.memory_space<vmem>> -> memref<1x125xi32, #tpu.memory_space<vmem>>
          %dma_wait3A_92 = tpu.memref_squeeze %dma_wait3A_91 : memref<1x125xi32, #tpu.memory_space<vmem>> -> memref<125xi32, #tpu.memory_space<vmem>>
          %dma_wait3A_93 = arith.constant 0 : i32
          %dma_wait3A_94 = arith.constant 0 : i32
          %dma_wait3A_95 = tpu.memref_slice %arg11[%dma_wait3A_93, %dma_wait3A_94] : memref<10240x128xf32, #tpu.memory_space<vmem_shared>> -> memref<10240x128xf32, #tpu.memory_space<vmem_shared>>
          tpu.wait_indirect_dma semaphore(%run_scoped3A_83 : memref<!tpu.dma_semaphore, #tpu.memory_space<semaphore_mem>>) src(%arg9 : memref<125x128xf32, #tpu.memory_space<vmem>>) dst(%dma_wait3A_95 : memref<10240x128xf32, #tpu.memory_space<vmem_shared>>)
          tpu.yield
        }) : () -> ()
        %add3A_57 = arith.constant 2 : i32
        %add3A_58 = arith.addi %mul3A_50, %add3A_57 : i32
        %dma_start3A_59 = arith.constant 0 : i32
        %dma_start3A_60 = tpu.memref_slice %arg7[%add3A_58, %dma_start3A_59] : memref<40x125xi32, #tpu.memory_space<vmem>> -> memref<1x125xi32, #tpu.memory_space<vmem>>
        %dma_start3A_61 = tpu.memref_squeeze %dma_start3A_60 : memref<1x125xi32, #tpu.memory_space<vmem>> -> memref<125xi32, #tpu.memory_space<vmem>>
        %dma_start3A_62 = arith.constant 0 : i32
        %dma_start3A_63 = arith.constant 0 : i32
        %dma_start3A_64 = tpu.memref_slice %arg2[%dma_start3A_62, %dma_start3A_63] : memref<10000x128xf32, #tpu.memory_space<hbm>> -> memref<10000x128xf32, #tpu.memory_space<hbm>>
        tpu.enqueue_indirect_dma source(%dma_start3A_64 : memref<10000x128xf32, #tpu.memory_space<hbm>>) target(%arg9 : memref<125x128xf32, #tpu.memory_space<vmem>>) offsets(%dma_start3A_61 : memref<125xi32, #tpu.memory_space<vmem>>) semaphore(%arg12 : memref<!tpu.dma_semaphore, #tpu.memory_space<semaphore_mem>>)
        %add3A_65 = arith.constant 1 : i32
        %add3A_66 = arith.addi %mul3A_50, %add3A_65 : i32
        %dma_wait3A_67 = arith.constant 0 : i32
        %dma_wait3A_68 = tpu.memref_slice %arg7[%add3A_66, %dma_wait3A_67] : memref<40x125xi32, #tpu.memory_space<vmem>> -> memref<1x125xi32, #tpu.memory_space<vmem>>
        %dma_wait3A_69 = tpu.memref_squeeze %dma_wait3A_68 : memref<1x125xi32, #tpu.memory_space<vmem>> -> memref<125xi32, #tpu.memory_space<vmem>>
        %dma_wait3A_70 = arith.constant 0 : i32
        %dma_wait3A_71 = arith.constant 0 : i32
        %dma_wait3A_72 = tpu.memref_slice %arg2[%dma_wait3A_70, %dma_wait3A_71] : memref<10000x128xf32, #tpu.memory_space<hbm>> -> memref<10000x128xf32, #tpu.memory_space<hbm>>
        tpu.wait_indirect_dma semaphore(%arg13 : memref<!tpu.dma_semaphore, #tpu.memory_space<semaphore_mem>>) src(%dma_wait3A_72 : memref<10000x128xf32, #tpu.memory_space<hbm>>) dst(%arg10 : memref<125x128xf32, #tpu.memory_space<vmem>>)
        %add3A_73 = arith.constant 1 : i32
        %add3A_74 = arith.addi %mul3A_50, %add3A_73 : i32
        "tpu.region"() ({
          %run_scoped3A_83 = tpu.sem_alloc : memref<!tpu.dma_semaphore, #tpu.memory_space<semaphore_mem>>
          %dma_start3A_84 = arith.constant 0 : i32
          %dma_start3A_85 = tpu.memref_slice %arg8[%add3A_74, %dma_start3A_84] : memref<40x125xi32, #tpu.memory_space<vmem>> -> memref<1x125xi32, #tpu.memory_space<vmem>>
          %dma_start3A_86 = tpu.memref_squeeze %dma_start3A_85 : memref<1x125xi32, #tpu.memory_space<vmem>> -> memref<125xi32, #tpu.memory_space<vmem>>
          %dma_start3A_87 = arith.constant 0 : i32
          %dma_start3A_88 = arith.constant 0 : i32
          %dma_start3A_89 = tpu.memref_slice %arg11[%dma_start3A_87, %dma_start3A_88] : memref<10240x128xf32, #tpu.memory_space<vmem_shared>> -> memref<10240x128xf32, #tpu.memory_space<vmem_shared>>
          tpu.enqueue_indirect_dma source(%arg10 : memref<125x128xf32, #tpu.memory_space<vmem>>) target(%dma_start3A_89 : memref<10240x128xf32, #tpu.memory_space<vmem_shared>>) offsets(%dma_start3A_86 : memref<125xi32, #tpu.memory_space<vmem>>) semaphore(%run_scoped3A_83 : memref<!tpu.dma_semaphore, #tpu.memory_space<semaphore_mem>>) {add = true}
          %dma_wait3A_90 = arith.constant 0 : i32
          %dma_wait3A_91 = tpu.memref_slice %arg8[%add3A_74, %dma_wait3A_90] : memref<40x125xi32, #tpu.memory_space<vmem>> -> memref<1x125xi32, #tpu.memory_space<vmem>>
          %dma_wait3A_92 = tpu.memref_squeeze %dma_wait3A_91 : memref<1x125xi32, #tpu.memory_space<vmem>> -> memref<125xi32, #tpu.memory_space<vmem>>
          %dma_wait3A_93 = arith.constant 0 : i32
          %dma_wait3A_94 = arith.constant 0 : i32
          %dma_wait3A_95 = tpu.memref_slice %arg11[%dma_wait3A_93, %dma_wait3A_94] : memref<10240x128xf32, #tpu.memory_space<vmem_shared>> -> memref<10240x128xf32, #tpu.memory_space<vmem_shared>>
          tpu.wait_indirect_dma semaphore(%run_scoped3A_83 : memref<!tpu.dma_semaphore, #tpu.memory_space<semaphore_mem>>) src(%arg10 : memref<125x128xf32, #tpu.memory_space<vmem>>) dst(%dma_wait3A_95 : memref<10240x128xf32, #tpu.memory_space<vmem_shared>>)
          tpu.yield
        }) : () -> ()
        %add3A_75 = arith.constant 3 : i32
        %add3A_76 = arith.addi %mul3A_50, %add3A_75 : i32
        %dma_start3A_77 = arith.constant 0 : i32
        %dma_start3A_78 = tpu.memref_slice %arg7[%add3A_76, %dma_start3A_77] : memref<40x125xi32, #tpu.memory_space<vmem>> -> memref<1x125xi32, #tpu.memory_space<vmem>>
        %dma_start3A_79 = tpu.memref_squeeze %dma_start3A_78 : memref<1x125xi32, #tpu.memory_space<vmem>> -> memref<125xi32, #tpu.memory_space<vmem>>
        %dma_start3A_80 = arith.constant 0 : i32
        %dma_start3A_81 = arith.constant 0 : i32
        %dma_start3A_82 = tpu.memref_slice %arg2[%dma_start3A_80, %dma_start3A_81] : memref<10000x128xf32, #tpu.memory_space<hbm>> -> memref<10000x128xf32, #tpu.memory_space<hbm>>
        tpu.enqueue_indirect_dma source(%dma_start3A_82 : memref<10000x128xf32, #tpu.memory_space<hbm>>) target(%arg10 : memref<125x128xf32, #tpu.memory_space<vmem>>) offsets(%dma_start3A_79 : memref<125xi32, #tpu.memory_space<vmem>>) semaphore(%arg13 : memref<!tpu.dma_semaphore, #tpu.memory_space<semaphore_mem>>)
      }
      %scan3A_33 = arith.constant 19 : i32
      %dma_wait3A = arith.constant 38 : i32
      %dma_wait3A_34 = arith.constant 0 : i32
      %dma_wait3A_35 = tpu.memref_slice %arg7[%dma_wait3A, %dma_wait3A_34] : memref<40x125xi32, #tpu.memory_space<vmem>> -> memref<1x125xi32, #tpu.memory_space<vmem>>
      %dma_wait3A_36 = tpu.memref_squeeze %dma_wait3A_35 : memref<1x125xi32, #tpu.memory_space<vmem>> -> memref<125xi32, #tpu.memory_space<vmem>>
      %dma_wait3A_37 = arith.constant 0 : i32
      %dma_wait3A_38 = arith.constant 0 : i32
      %dma_wait3A_39 = tpu.memref_slice %arg2[%dma_wait3A_37, %dma_wait3A_38] : memref<10000x128xf32, #tpu.memory_space<hbm>> -> memref<10000x128xf32, #tpu.memory_space<hbm>>
      tpu.wait_indirect_dma semaphore(%arg12 : memref<!tpu.dma_semaphore, #tpu.memory_space<semaphore_mem>>) src(%dma_wait3A_39 : memref<10000x128xf32, #tpu.memory_space<hbm>>) dst(%arg9 : memref<125x128xf32, #tpu.memory_space<vmem>>)
      %run_scoped3A = arith.constant 38 : i32
      "tpu.region"() ({
        %run_scoped3A_48 = tpu.sem_alloc : memref<!tpu.dma_semaphore, #tpu.memory_space<semaphore_mem>>
        %dma_start3A_49 = arith.constant 0 : i32
        %dma_start3A_50 = tpu.memref_slice %arg8[%run_scoped3A, %dma_start3A_49] : memref<40x125xi32, #tpu.memory_space<vmem>> -> memref<1x125xi32, #tpu.memory_space<vmem>>
        %dma_start3A_51 = tpu.memref_squeeze %dma_start3A_50 : memref<1x125xi32, #tpu.memory_space<vmem>> -> memref<125xi32, #tpu.memory_space<vmem>>
        %dma_start3A_52 = arith.constant 0 : i32
        %dma_start3A_53 = arith.constant 0 : i32
        %dma_start3A_54 = tpu.memref_slice %arg11[%dma_start3A_52, %dma_start3A_53] : memref<10240x128xf32, #tpu.memory_space<vmem_shared>> -> memref<10240x128xf32, #tpu.memory_space<vmem_shared>>
        tpu.enqueue_indirect_dma source(%arg9 : memref<125x128xf32, #tpu.memory_space<vmem>>) target(%dma_start3A_54 : memref<10240x128xf32, #tpu.memory_space<vmem_shared>>) offsets(%dma_start3A_51 : memref<125xi32, #tpu.memory_space<vmem>>) semaphore(%run_scoped3A_48 : memref<!tpu.dma_semaphore, #tpu.memory_space<semaphore_mem>>) {add = true}
        %dma_wait3A_55 = arith.constant 0 : i32
        %dma_wait3A_56 = tpu.memref_slice %arg8[%run_scoped3A, %dma_wait3A_55] : memref<40x125xi32, #tpu.memory_space<vmem>> -> memref<1x125xi32, #tpu.memory_space<vmem>>
        %dma_wait3A_57 = tpu.memref_squeeze %dma_wait3A_56 : memref<1x125xi32, #tpu.memory_space<vmem>> -> memref<125xi32, #tpu.memory_space<vmem>>
        %dma_wait3A_58 = arith.constant 0 : i32
        %dma_wait3A_59 = arith.constant 0 : i32
        %dma_wait3A_60 = tpu.memref_slice %arg11[%dma_wait3A_58, %dma_wait3A_59] : memref<10240x128xf32, #tpu.memory_space<vmem_shared>> -> memref<10240x128xf32, #tpu.memory_space<vmem_shared>>
        tpu.wait_indirect_dma semaphore(%run_scoped3A_48 : memref<!tpu.dma_semaphore, #tpu.memory_space<semaphore_mem>>) src(%arg9 : memref<125x128xf32, #tpu.memory_space<vmem>>) dst(%dma_wait3A_60 : memref<10240x128xf32, #tpu.memory_space<vmem_shared>>)
        tpu.yield
      }) : () -> ()
      %dma_wait3A_40 = arith.constant 39 : i32
      %dma_wait3A_41 = arith.constant 0 : i32
      %dma_wait3A_42 = tpu.memref_slice %arg7[%dma_wait3A_40, %dma_wait3A_41] : memref<40x125xi32, #tpu.memory_space<vmem>> -> memref<1x125xi32, #tpu.memory_space<vmem>>
      %dma_wait3A_43 = tpu.memref_squeeze %dma_wait3A_42 : memref<1x125xi32, #tpu.memory_space<vmem>> -> memref<125xi32, #tpu.memory_space<vmem>>
      %dma_wait3A_44 = arith.constant 0 : i32
      %dma_wait3A_45 = arith.constant 0 : i32
      %dma_wait3A_46 = tpu.memref_slice %arg2[%dma_wait3A_44, %dma_wait3A_45] : memref<10000x128xf32, #tpu.memory_space<hbm>> -> memref<10000x128xf32, #tpu.memory_space<hbm>>
      tpu.wait_indirect_dma semaphore(%arg13 : memref<!tpu.dma_semaphore, #tpu.memory_space<semaphore_mem>>) src(%dma_wait3A_46 : memref<10000x128xf32, #tpu.memory_space<hbm>>) dst(%arg10 : memref<125x128xf32, #tpu.memory_space<vmem>>)
      %run_scoped3A_47 = arith.constant 39 : i32
      "tpu.region"() ({
        %run_scoped3A_48 = tpu.sem_alloc : memref<!tpu.dma_semaphore, #tpu.memory_space<semaphore_mem>>
        %dma_start3A_49 = arith.constant 0 : i32
        %dma_start3A_50 = tpu.memref_slice %arg8[%run_scoped3A_47, %dma_start3A_49] : memref<40x125xi32, #tpu.memory_space<vmem>> -> memref<1x125xi32, #tpu.memory_space<vmem>>
        %dma_start3A_51 = tpu.memref_squeeze %dma_start3A_50 : memref<1x125xi32, #tpu.memory_space<vmem>> -> memref<125xi32, #tpu.memory_space<vmem>>
        %dma_start3A_52 = arith.constant 0 : i32
        %dma_start3A_53 = arith.constant 0 : i32
        %dma_start3A_54 = tpu.memref_slice %arg11[%dma_start3A_52, %dma_start3A_53] : memref<10240x128xf32, #tpu.memory_space<vmem_shared>> -> memref<10240x128xf32, #tpu.memory_space<vmem_shared>>
        tpu.enqueue_indirect_dma source(%arg10 : memref<125x128xf32, #tpu.memory_space<vmem>>) target(%dma_start3A_54 : memref<10240x128xf32, #tpu.memory_space<vmem_shared>>) offsets(%dma_start3A_51 : memref<125xi32, #tpu.memory_space<vmem>>) semaphore(%run_scoped3A_48 : memref<!tpu.dma_semaphore, #tpu.memory_space<semaphore_mem>>) {add = true}
        %dma_wait3A_55 = arith.constant 0 : i32
        %dma_wait3A_56 = tpu.memref_slice %arg8[%run_scoped3A_47, %dma_wait3A_55] : memref<40x125xi32, #tpu.memory_space<vmem>> -> memref<1x125xi32, #tpu.memory_space<vmem>>
        %dma_wait3A_57 = tpu.memref_squeeze %dma_wait3A_56 : memref<1x125xi32, #tpu.memory_space<vmem>> -> memref<125xi32, #tpu.memory_space<vmem>>
        %dma_wait3A_58 = arith.constant 0 : i32
        %dma_wait3A_59 = arith.constant 0 : i32
        %dma_wait3A_60 = tpu.memref_slice %arg11[%dma_wait3A_58, %dma_wait3A_59] : memref<10240x128xf32, #tpu.memory_space<vmem_shared>> -> memref<10240x128xf32, #tpu.memory_space<vmem_shared>>
        tpu.wait_indirect_dma semaphore(%run_scoped3A_48 : memref<!tpu.dma_semaphore, #tpu.memory_space<semaphore_mem>>) src(%arg10 : memref<125x128xf32, #tpu.memory_space<vmem>>) dst(%dma_wait3A_60 : memref<10240x128xf32, #tpu.memory_space<vmem_shared>>)
        tpu.yield
      }) : () -> ()
    }
    %scan3A_7 = arith.constant 2 : i32
    %barrier3A_8 = arith.constant 0 : index
    tpu.barrier barrier_id(%barrier3A_8)
    %mul3A_9 = arith.constant 640 : i32
    %mul3A_10 = arith.muli %arg1, %mul3A_9 : i32
    %mul3A_11 = arith.constant 16 : i32
    %mul3A_12 = arith.muli %arg0, %mul3A_11 : i32
    %add3A_13 = arith.addi %mul3A_12, %arg1 : i32
    "tpu.region"() ({
      %run_scoped3A = tpu.sem_alloc : memref<!tpu.dma_semaphore, #tpu.memory_space<semaphore_mem>>
      %dma_start3A = arith.constant 0 : i32
      %dma_start3A_14 = arith.constant 0 : i32
      %dma_start3A_15 = tpu.memref_slice %arg6[%add3A_13, %dma_start3A, %dma_start3A_14] : memref<32x640x128xf32, #tpu.memory_space<hbm>> -> memref<1x640x128xf32, #tpu.memory_space<hbm>>
      %dma_start3A_16 = tpu.memref_squeeze %dma_start3A_15 : memref<1x640x128xf32, #tpu.memory_space<hbm>> -> memref<640x128xf32, #tpu.memory_space<hbm>>
      %dma_start3A_17 = arith.constant 0 : i32
      %dma_start3A_18 = tpu.memref_slice %arg11[%mul3A_10, %dma_start3A_17] : memref<10240x128xf32, #tpu.memory_space<vmem_shared>> -> memref<640x128xf32, #tpu.memory_space<vmem_shared>>
      tpu.enqueue_dma source(%dma_start3A_18 : memref<640x128xf32, #tpu.memory_space<vmem_shared>>) target(%dma_start3A_16 : memref<640x128xf32, #tpu.memory_space<hbm>>) target_semaphore(%run_scoped3A : memref<!tpu.dma_semaphore, #tpu.memory_space<semaphore_mem>>)
      %dma_wait3A = arith.constant 0 : i32
      %dma_wait3A_19 = arith.constant 0 : i32
      %dma_wait3A_20 = tpu.memref_slice %arg6[%add3A_13, %dma_wait3A, %dma_wait3A_19] : memref<32x640x128xf32, #tpu.memory_space<hbm>> -> memref<1x640x128xf32, #tpu.memory_space<hbm>>
      %dma_wait3A_21 = tpu.memref_squeeze %dma_wait3A_20 : memref<1x640x128xf32, #tpu.memory_space<hbm>> -> memref<640x128xf32, #tpu.memory_space<hbm>>
      %dma_wait3A_22 = arith.constant 0 : i32
      %dma_wait3A_23 = tpu.memref_slice %arg11[%mul3A_10, %dma_wait3A_22] : memref<10240x128xf32, #tpu.memory_space<vmem_shared>> -> memref<640x128xf32, #tpu.memory_space<vmem_shared>>
      tpu.wait_dma2 semaphore(%run_scoped3A : memref<!tpu.dma_semaphore, #tpu.memory_space<semaphore_mem>>) src(%dma_wait3A_23 : memref<640x128xf32, #tpu.memory_space<vmem_shared>>) dst(%dma_wait3A_21 : memref<640x128xf32, #tpu.memory_space<hbm>>)
      tpu.yield
    }) : () -> ()
    return
  }
}

module attributes {stable_mosaic.version = 14 : i64} {
  func.func @body(%arg0: memref<10000x128xf32, #tpu.memory_space<vmem>>, %arg1: memref<128x128xf32, #tpu.memory_space<vmem>>, %arg2: memref<10000x128xf32, #tpu.memory_space<vmem>>) attributes {dimension_semantics = [], scalar_prefetch = 0 : i64, scratch_operands = 0 : i64, tpu.core_type = #tpu.core_type<tc>} {
    %get3A = arith.constant 0 : index
    %get3A_0 = arith.constant 0 : index
    %get3A_1 = vector.load %arg0[%get3A, %get3A_0] : memref<10000x128xf32, #tpu.memory_space<vmem>>, vector<10000x128xf32>
    %get3A_2 = arith.constant 0 : index
    %get3A_3 = arith.constant 0 : index
    %get3A_4 = vector.load %arg1[%get3A_2, %get3A_3] : memref<128x128xf32, #tpu.memory_space<vmem>>, vector<128x128xf32>
    %dot_general3A = arith.constant dense<0.000000e+00> : vector<10000x128xf32>
    %dot_general3A_5 = tpu.matmul %get3A_1, %get3A_4, %dot_general3A {dimension_numbers = #tpu.dot_dimension_numbers<[1], [0], [0], [1], [0, 0, 1, 1], [], []>, transpose_lhs_hint = false} : vector<10000x128xf32>, vector<128x128xf32>, vector<10000x128xf32> -> vector<10000x128xf32>
    %swap3A = arith.constant 0 : index
    %swap3A_6 = arith.constant 0 : index
    %swap3A_7 = vector.load %arg2[%swap3A, %swap3A_6] : memref<10000x128xf32, #tpu.memory_space<vmem>>, vector<10000x128xf32>
    tpu.vector_store %arg2[%swap3A, %swap3A_6], %dot_general3A_5 {strides = array<i32>} : memref<10000x128xf32, #tpu.memory_space<vmem>>, vector<10000x128xf32>,
    return
  }
}

module attributes {stable_mosaic.version = 14 : i64} {
  func.func @body(%arg0: memref<10000x128xf32, #tpu.memory_space<vmem>>, %arg1: memref<128x128xf32, #tpu.memory_space<vmem>>, %arg2: memref<1x128xf32, #tpu.memory_space<vmem>>, %arg3: memref<10000x128xf32, #tpu.memory_space<vmem>>) attributes {dimension_semantics = [], scalar_prefetch = 0 : i64, scratch_operands = 0 : i64, tpu.core_type = #tpu.core_type<tc>} {
    %get3A = arith.constant 0 : index
    %get3A_0 = arith.constant 0 : index
    %get3A_1 = vector.load %arg0[%get3A, %get3A_0] : memref<10000x128xf32, #tpu.memory_space<vmem>>, vector<10000x128xf32>
    %get3A_2 = arith.constant 0 : index
    %get3A_3 = arith.constant 0 : index
    %get3A_4 = vector.load %arg1[%get3A_2, %get3A_3] : memref<128x128xf32, #tpu.memory_space<vmem>>, vector<128x128xf32>
    %dot_general3A = arith.constant dense<0.000000e+00> : vector<10000x128xf32>
    %dot_general3A_5 = tpu.matmul %get3A_1, %get3A_4, %dot_general3A {dimension_numbers = #tpu.dot_dimension_numbers<[1], [0], [0], [1], [0, 0, 1, 1], [], []>, transpose_lhs_hint = false} : vector<10000x128xf32>, vector<128x128xf32>, vector<10000x128xf32> -> vector<10000x128xf32>
    %get3A_6 = arith.constant 0 : index
    %get3A_7 = arith.constant 0 : index
    %get3A_8 = vector.load %arg2[%get3A_6, %get3A_7] : memref<1x128xf32, #tpu.memory_space<vmem>>, vector<1x128xf32>
    %add3A = vector.broadcast %get3A_8 : vector<1x128xf32> to vector<10000x128xf32>
    %add3A_9 = arith.addf %dot_general3A_5, %add3A : vector<10000x128xf32>
    %max3A = arith.constant 0.000000e+00 : f32
    %max3A_10 = vector.broadcast %max3A : f32 to vector<10000x128xf32>
    %max3A_11 = arith.maximumf %add3A_9, %max3A_10 : vector<10000x128xf32>
    %swap3A = arith.constant 0 : index
    %swap3A_12 = arith.constant 0 : index
    %swap3A_13 = vector.load %arg3[%swap3A, %swap3A_12] : memref<10000x128xf32, #tpu.memory_space<vmem>>, vector<10000x128xf32>
    tpu.vector_store %arg3[%swap3A, %swap3A_12], %max3A_11 {strides = array<i32>} : memref<10000x128xf32, #tpu.memory_space<vmem>>, vector<10000x128xf32>,
    return
  }
}

module attributes {stable_mosaic.version = 14 : i64} {
  func.func @body(%arg0: memref<20480x128xf32, #tpu.memory_space<vmem>>, %arg1: memref<1x128xf32, #tpu.memory_space<vmem>>, %arg2: memref<10000x128xf32, #tpu.memory_space<vmem>>, %arg3: memref<1x128xf32, #tpu.memory_space<vmem>>, %arg4: memref<1x128xf32, #tpu.memory_space<vmem>>, %arg5: memref<128x128xf32, #tpu.memory_space<vmem>>, %arg6: memref<10000x128xf32, #tpu.memory_space<vmem>>, %arg7: memref<10000x128xf32, #tpu.memory_space<vmem>>) attributes {dimension_semantics = [], scalar_prefetch = 0 : i64, scratch_operands = 0 : i64, tpu.core_type = #tpu.core_type<tc>} {
    %get3A = arith.constant 0 : index
    %get3A_0 = arith.constant 0 : index
    %get3A_1 = vector.load %arg0[%get3A, %get3A_0] : memref<20480x128xf32, #tpu.memory_space<vmem>>, vector<10000x128xf32>
    %get3A_2 = arith.constant 10240 : index
    %get3A_3 = arith.constant 0 : index
    %get3A_4 = vector.load %arg0[%get3A_2, %get3A_3] : memref<20480x128xf32, #tpu.memory_space<vmem>>, vector<10000x128xf32>
    %add3A = arith.addf %get3A_1, %get3A_4 : vector<10000x128xf32>
    %get3A_5 = arith.constant 0 : index
    %get3A_6 = arith.constant 0 : index
    %get3A_7 = vector.load %arg1[%get3A_5, %get3A_6] : memref<1x128xf32, #tpu.memory_space<vmem>>, vector<1x128xf32>
    %add3A_8 = vector.broadcast %get3A_7 : vector<1x128xf32> to vector<10000x128xf32>
    %add3A_9 = arith.addf %add3A, %add3A_8 : vector<10000x128xf32>
    %max3A = arith.constant 0.000000e+00 : f32
    %max3A_10 = vector.broadcast %max3A : f32 to vector<10000x128xf32>
    %max3A_11 = arith.maximumf %add3A_9, %max3A_10 : vector<10000x128xf32>
    %get3A_12 = arith.constant 0 : index
    %get3A_13 = arith.constant 0 : index
    %get3A_14 = vector.load %arg2[%get3A_12, %get3A_13] : memref<10000x128xf32, #tpu.memory_space<vmem>>, vector<10000x128xf32>
    %add3A_15 = arith.addf %max3A_11, %get3A_14 : vector<10000x128xf32>
    %reduce_sum3A = arith.constant dense<0.000000e+00> : vector<128xf32>
    %reduce_sum3A_16 = vector.multi_reduction <add>, %add3A_15, %reduce_sum3A [0] : vector<10000x128xf32> to vector<128xf32>
    %broadcast_in_dim3A = vector.shape_cast %reduce_sum3A_16 : vector<128xf32> to vector<1x128xf32>
    %div3A = arith.constant 1.000000e+04 : f32
    %div3A_17 = vector.broadcast %div3A : f32 to vector<1x128xf32>
    %div3A_18 = arith.divf %broadcast_in_dim3A, %div3A_17 : vector<1x128xf32>
    %sub3A = vector.broadcast %div3A_18 : vector<1x128xf32> to vector<10000x128xf32>
    %sub3A_19 = arith.subf %add3A_15, %sub3A : vector<10000x128xf32>
    %mul3A = arith.mulf %sub3A_19, %sub3A_19 : vector<10000x128xf32>
    %reduce_sum3A_20 = arith.constant dense<0.000000e+00> : vector<128xf32>
    %reduce_sum3A_21 = vector.multi_reduction <add>, %mul3A, %reduce_sum3A_20 [0] : vector<10000x128xf32> to vector<128xf32>
    %broadcast_in_dim3A_22 = vector.shape_cast %reduce_sum3A_21 : vector<128xf32> to vector<1x128xf32>
    %div3A_23 = arith.constant 1.000000e+04 : f32
    %div3A_24 = vector.broadcast %div3A_23 : f32 to vector<1x128xf32>
    %div3A_25 = arith.divf %broadcast_in_dim3A_22, %div3A_24 : vector<1x128xf32>
    %add3A_26 = arith.constant 9.99999974E-6 : f32
    %add3A_27 = vector.broadcast %add3A_26 : f32 to vector<1x128xf32>
    %add3A_28 = arith.addf %div3A_25, %add3A_27 : vector<1x128xf32>
    %rsqrt3A = math.rsqrt %add3A_28 : vector<1x128xf32>
    %mul3A_29 = vector.broadcast %rsqrt3A : vector<1x128xf32> to vector<10000x128xf32>
    %mul3A_30 = arith.mulf %sub3A_19, %mul3A_29 : vector<10000x128xf32>
    %get3A_31 = arith.constant 0 : index
    %get3A_32 = arith.constant 0 : index
    %get3A_33 = vector.load %arg3[%get3A_31, %get3A_32] : memref<1x128xf32, #tpu.memory_space<vmem>>, vector<1x128xf32>
    %mul3A_34 = vector.broadcast %get3A_33 : vector<1x128xf32> to vector<10000x128xf32>
    %mul3A_35 = arith.mulf %mul3A_30, %mul3A_34 : vector<10000x128xf32>
    %get3A_36 = arith.constant 0 : index
    %get3A_37 = arith.constant 0 : index
    %get3A_38 = vector.load %arg4[%get3A_36, %get3A_37] : memref<1x128xf32, #tpu.memory_space<vmem>>, vector<1x128xf32>
    %add3A_39 = vector.broadcast %get3A_38 : vector<1x128xf32> to vector<10000x128xf32>
    %add3A_40 = arith.addf %mul3A_35, %add3A_39 : vector<10000x128xf32>
    %get3A_41 = arith.constant 0 : index
    %get3A_42 = arith.constant 0 : index
    %get3A_43 = vector.load %arg5[%get3A_41, %get3A_42] : memref<128x128xf32, #tpu.memory_space<vmem>>, vector<128x128xf32>
    %dot_general3A = arith.constant dense<0.000000e+00> : vector<10000x128xf32>
    %dot_general3A_44 = tpu.matmul %add3A_40, %get3A_43, %dot_general3A {dimension_numbers = #tpu.dot_dimension_numbers<[1], [0], [0], [1], [0, 0, 1, 1], [], []>, transpose_lhs_hint = false} : vector<10000x128xf32>, vector<128x128xf32>, vector<10000x128xf32> -> vector<10000x128xf32>
    %swap3A = arith.constant 0 : index
    %swap3A_45 = arith.constant 0 : index
    %swap3A_46 = vector.load %arg6[%swap3A, %swap3A_45] : memref<10000x128xf32, #tpu.memory_space<vmem>>, vector<10000x128xf32>
    tpu.vector_store %arg6[%swap3A, %swap3A_45], %dot_general3A_44 {strides = array<i32>} : memref<10000x128xf32, #tpu.memory_space<vmem>>, vector<10000x128xf32>,
    %swap3A_47 = arith.constant 0 : index
    %swap3A_48 = arith.constant 0 : index
    %swap3A_49 = vector.load %arg7[%swap3A_47, %swap3A_48] : memref<10000x128xf32, #tpu.memory_space<vmem>>, vector<10000x128xf32>
    tpu.vector_store %arg7[%swap3A_47, %swap3A_48], %add3A_40 {strides = array<i32>} : memref<10000x128xf32, #tpu.memory_space<vmem>>, vector<10000x128xf32>,
    return
  }
}

module attributes {stable_mosaic.version = 14 : i64} {
  func.func @body(%arg0: memref<20480x128xf32, #tpu.memory_space<vmem>>, %arg1: memref<1x128xf32, #tpu.memory_space<vmem>>, %arg2: memref<10000x128xf32, #tpu.memory_space<vmem>>, %arg3: memref<1x128xf32, #tpu.memory_space<vmem>>, %arg4: memref<1x128xf32, #tpu.memory_space<vmem>>, %arg5: memref<128x1xf32, #tpu.memory_space<vmem>>, %arg6: memref<1x1xf32, #tpu.memory_space<vmem>>, %arg7: memref<256x128xf32, #tpu.memory_space<vmem>>, %arg8: memref<1x128xf32, #tpu.memory_space<vmem>>, %arg9: memref<1x128xf32, #tpu.memory_space<vmem>>) attributes {dimension_semantics = [], scalar_prefetch = 0 : i64, scratch_operands = 0 : i64, tpu.core_type = #tpu.core_type<tc>} {
    %get3A = arith.constant 0 : index
    %get3A_0 = arith.constant 0 : index
    %get3A_1 = vector.load %arg0[%get3A, %get3A_0] : memref<20480x128xf32, #tpu.memory_space<vmem>>, vector<10000x128xf32>
    %get3A_2 = arith.constant 10240 : index
    %get3A_3 = arith.constant 0 : index
    %get3A_4 = vector.load %arg0[%get3A_2, %get3A_3] : memref<20480x128xf32, #tpu.memory_space<vmem>>, vector<10000x128xf32>
    %add3A = arith.addf %get3A_1, %get3A_4 : vector<10000x128xf32>
    %get3A_5 = arith.constant 0 : index
    %get3A_6 = arith.constant 0 : index
    %get3A_7 = vector.load %arg1[%get3A_5, %get3A_6] : memref<1x128xf32, #tpu.memory_space<vmem>>, vector<1x128xf32>
    %add3A_8 = vector.broadcast %get3A_7 : vector<1x128xf32> to vector<10000x128xf32>
    %add3A_9 = arith.addf %add3A, %add3A_8 : vector<10000x128xf32>
    %max3A = arith.constant 0.000000e+00 : f32
    %max3A_10 = vector.broadcast %max3A : f32 to vector<10000x128xf32>
    %max3A_11 = arith.maximumf %add3A_9, %max3A_10 : vector<10000x128xf32>
    %get3A_12 = arith.constant 0 : index
    %get3A_13 = arith.constant 0 : index
    %get3A_14 = vector.load %arg2[%get3A_12, %get3A_13] : memref<10000x128xf32, #tpu.memory_space<vmem>>, vector<10000x128xf32>
    %add3A_15 = arith.addf %max3A_11, %get3A_14 : vector<10000x128xf32>
    %reduce_sum3A = arith.constant dense<0.000000e+00> : vector<128xf32>
    %reduce_sum3A_16 = vector.multi_reduction <add>, %add3A_15, %reduce_sum3A [0] : vector<10000x128xf32> to vector<128xf32>
    %broadcast_in_dim3A = vector.shape_cast %reduce_sum3A_16 : vector<128xf32> to vector<1x128xf32>
    %div3A = arith.constant 1.000000e+04 : f32
    %div3A_17 = vector.broadcast %div3A : f32 to vector<1x128xf32>
    %div3A_18 = arith.divf %broadcast_in_dim3A, %div3A_17 : vector<1x128xf32>
    %sub3A = vector.broadcast %div3A_18 : vector<1x128xf32> to vector<10000x128xf32>
    %sub3A_19 = arith.subf %add3A_15, %sub3A : vector<10000x128xf32>
    %mul3A = arith.mulf %sub3A_19, %sub3A_19 : vector<10000x128xf32>
    %reduce_sum3A_20 = arith.constant dense<0.000000e+00> : vector<128xf32>
    %reduce_sum3A_21 = vector.multi_reduction <add>, %mul3A, %reduce_sum3A_20 [0] : vector<10000x128xf32> to vector<128xf32>
    %broadcast_in_dim3A_22 = vector.shape_cast %reduce_sum3A_21 : vector<128xf32> to vector<1x128xf32>
    %div3A_23 = arith.constant 1.000000e+04 : f32
    %div3A_24 = vector.broadcast %div3A_23 : f32 to vector<1x128xf32>
    %div3A_25 = arith.divf %broadcast_in_dim3A_22, %div3A_24 : vector<1x128xf32>
    %add3A_26 = arith.constant 9.99999974E-6 : f32
    %add3A_27 = vector.broadcast %add3A_26 : f32 to vector<1x128xf32>
    %add3A_28 = arith.addf %div3A_25, %add3A_27 : vector<1x128xf32>
    %rsqrt3A = math.rsqrt %add3A_28 : vector<1x128xf32>
    %mul3A_29 = vector.broadcast %rsqrt3A : vector<1x128xf32> to vector<10000x128xf32>
    %mul3A_30 = arith.mulf %sub3A_19, %mul3A_29 : vector<10000x128xf32>
    %get3A_31 = arith.constant 0 : index
    %get3A_32 = arith.constant 0 : index
    %get3A_33 = vector.load %arg3[%get3A_31, %get3A_32] : memref<1x128xf32, #tpu.memory_space<vmem>>, vector<1x128xf32>
    %mul3A_34 = vector.broadcast %get3A_33 : vector<1x128xf32> to vector<10000x128xf32>
    %mul3A_35 = arith.mulf %mul3A_30, %mul3A_34 : vector<10000x128xf32>
    %get3A_36 = arith.constant 0 : index
    %get3A_37 = arith.constant 0 : index
    %get3A_38 = vector.load %arg4[%get3A_36, %get3A_37] : memref<1x128xf32, #tpu.memory_space<vmem>>, vector<1x128xf32>
    %add3A_39 = vector.broadcast %get3A_38 : vector<1x128xf32> to vector<10000x128xf32>
    %add3A_40 = arith.addf %mul3A_35, %add3A_39 : vector<10000x128xf32>
    %get3A_41 = arith.constant 0 : index
    %get3A_42 = arith.constant 0 : index
    %get3A_43 = vector.load %arg5[%get3A_41, %get3A_42] : memref<128x1xf32, #tpu.memory_space<vmem>>, vector<128x1xf32>
    %dot_general3A = arith.constant dense<0.000000e+00> : vector<10000x1xf32>
    %dot_general3A_44 = tpu.matmul %add3A_40, %get3A_43, %dot_general3A {dimension_numbers = #tpu.dot_dimension_numbers<[1], [0], [0], [1], [0, 0, 1, 1], [], []>, transpose_lhs_hint = false} : vector<10000x128xf32>, vector<128x1xf32>, vector<10000x1xf32> -> vector<10000x1xf32>
    %get3A_45 = arith.constant 0 : index
    %get3A_46 = arith.constant 0 : index
    %get3A_47 = vector.load %arg6[%get3A_45, %get3A_46] : memref<1x1xf32, #tpu.memory_space<vmem>>, vector<1x1xf32>
    %add3A_48 = vector.broadcast %get3A_47 : vector<1x1xf32> to vector<10000x1xf32>
    %add3A_49 = arith.addf %dot_general3A_44, %add3A_48 : vector<10000x1xf32>
    %logistic3A = arith.negf %add3A_49 : vector<10000x1xf32>
    %logistic3A_50 = math.exp %logistic3A : vector<10000x1xf32>
    %logistic3A_51 = arith.constant 1.000000e+00 : f32
    %logistic3A_52 = vector.broadcast %logistic3A_51 : f32 to vector<10000x1xf32>
    %logistic3A_53 = arith.addf %logistic3A_52, %logistic3A_50 : vector<10000x1xf32>
    %logistic3A_54 = arith.divf %logistic3A_52, %logistic3A_53 : vector<10000x1xf32>
    %mul3A_55 = vector.broadcast %logistic3A_54 : vector<10000x1xf32> to vector<10000x128xf32>
    %mul3A_56 = arith.mulf %mul3A_55, %add3A_40 : vector<10000x128xf32>
    %reduce_sum3A_57 = arith.constant dense<0.000000e+00> : vector<128xf32>
    %reduce_sum3A_58 = vector.multi_reduction <add>, %mul3A_56, %reduce_sum3A_57 [0] : vector<10000x128xf32> to vector<128xf32>
    %broadcast_in_dim3A_59 = vector.shape_cast %reduce_sum3A_58 : vector<128xf32> to vector<1x128xf32>
    %reduce_max3A = arith.constant dense<0xFF800000> : vector<128xf32>
    %reduce_max3A_60 = vector.multi_reduction <maximumf>, %add3A_40, %reduce_max3A [0] : vector<10000x128xf32> to vector<128xf32>
    %broadcast_in_dim3A_61 = vector.shape_cast %reduce_max3A_60 : vector<128xf32> to vector<1x128xf32>
    %concatenate3A = tpu.concatenate %broadcast_in_dim3A_59, %broadcast_in_dim3A_61 in 1 : vector<1x128xf32>, vector<1x128xf32> -> vector<1x256xf32>
    %get3A_62 = arith.constant 0 : index
    %get3A_63 = arith.constant 0 : index
    %get3A_64 = vector.load %arg7[%get3A_62, %get3A_63] : memref<256x128xf32, #tpu.memory_space<vmem>>, vector<256x128xf32>
    %dot_general3A_65 = arith.constant dense<0.000000e+00> : vector<1x128xf32>
    %dot_general3A_66 = tpu.matmul %concatenate3A, %get3A_64, %dot_general3A_65 {dimension_numbers = #tpu.dot_dimension_numbers<[1], [0], [0], [1], [0, 0, 1, 1], [], []>, transpose_lhs_hint = false} : vector<1x256xf32>, vector<256x128xf32>, vector<1x128xf32> -> vector<1x128xf32>
    %get3A_67 = arith.constant 0 : index
    %get3A_68 = arith.constant 0 : index
    %get3A_69 = vector.load %arg8[%get3A_67, %get3A_68] : memref<1x128xf32, #tpu.memory_space<vmem>>, vector<1x128xf32>
    %add3A_70 = arith.addf %dot_general3A_66, %get3A_69 : vector<1x128xf32>
    %swap3A = arith.constant 0 : index
    %swap3A_71 = arith.constant 0 : index
    %swap3A_72 = vector.load %arg9[%swap3A, %swap3A_71] : memref<1x128xf32, #tpu.memory_space<vmem>>, vector<1x128xf32>
    tpu.vector_store %arg9[%swap3A, %swap3A_71], %add3A_70 {strides = array<i32>} : memref<1x128xf32, #tpu.memory_space<vmem>>, vector<1x128xf32>,
    return
  }
}

</mosaic_0001>

<sc_bundles>
// kernel: kernel.12.cloned.1.call-start
scs
__scs_entry_jumppad:
0x0: {  	(pc) =	sbr.rel $0x88, $3  }
0x1: {  	(tag) =	ssettag $0x0;
	lr =	simm.s32 $0x1  }
0x2: {  	[smem:$0x3F8F] =	sst lr;
	_ =	strace $0xD0000000  }
0x3: {  	_ = 	snop  }
0x4: {  	_ = 	snop  }
0x5: {  	_ = 	snop  }
0x6: {  	_ = 	snop  }
0x7: {  	_ = 	snop  }
__scs_overlays_trampoline_lowered:
0x8: {  	[smem:$0x3F9E] =	sst s0  }
0x9: {  	[smem:$0x3F9F] =	sst s1  }
0xa: {  	[smem:$0x3FA0] =	sst s2  }
0xb: {  	[smem:$0x3FA1] =	sst s3  }
0xc: {  	[smem:$0x3FA2] =	sst s4  }
0xd: {  	[smem:$0x3FA3] =	sst s5  }
0xe: {  	[smem:$0x3FA4] =	sst s6  }
0xf: {  	[smem:$0x3FA5] =	sst s7  }
0x10: {  	[smem:$0x3FA6] =	sst s8  }
0x11: {  	[smem:$0x3FA7] =	sst s9;
	s0 =	simm.s32 @!p0 $0x0  }
0x12: {  	s1 =	sld [smem:$0x3F8D];
	s0 =	simm.s32 @p0 $0x1  }
0x13: {  	[smem:$0x3FA8] =	sst s0;
	s0 =	simm.s32 @!p1 $0x0  }
0x14: {  	s2 =	sld [smem:$0x3F8C];
	s0 =	simm.s32 @p1 $0x1  }
0x15: {  	[smem:$0x3FA9] =	sst s0;
	s0 =	simm.s32 @!p2 $0x0  }
0x16: {  	s3 =	sld [smem:$0x3FDB];
	s0 =	simm.s32 @p2 $0x1  }
0x17: {  	s4 =	simm.s32 $0x1BF5;
	[smem:$0x3FAB] =	sst s0  }
0x18: {  	s0 =	sld [smem:$0x3F8E];
	_ =	swait.ge [sflag:s4], $0x0  }
0x19: {  	s7 =	sld [smem:$0x3F8F]  }
0x1a: {  	s8 =	sadd.s32 $0xFFFFE003, lr  }
0x1b: {  	s9 =	sadd.s32 $0xFFFFFEF7, lr;
	s5 =	simm.s32 $0xFFFFFFFF;
	p2 =	slt.u32 s8, $0xFFFFF086  }
0x1c: {  	p1 =	slt.u32 s9, $0xF7A;
	s5 =	simm.s32 @!p2 $0x0  }
0x1d: {  	s5 =	simm.s32 @p1 $0x1;
	p0 =	seq.s32 s7, s2  }
0x1e: {  	s7 =	smul.u32 @!p0 $0xF7A, s2;
	p2 =	seq.s32 @!p0 s5, $0x0  }
0x1f: {  	s9 =	smul.u32 $0xF7A, s1;
	s8 =	simm.s32 @!p0 $0x1BF5;
	p2 =	por !p2, p0  }
0x20: {  	[sflag:s8] =	ssyncset.s32 @!p0 $0xFFFFF086;
	s6 =	sadd.s32 @!p0 s3, s7;
	s7 =	simm.s32 @!p0 $0x108  }
0x21: {  	s3 =	sadd.s32 s3, s9;
	s6 =	sadd.s32 @!p0 $0x88, s6;
	s7 =	simm.s32 @p2 $0x1082  }
0x22: {  	[simem:s7], [sflag:s8] =	dma.local @!p0 [hbm:s6], $0xF7A  }
0x23: {  	s9 =	sor.u32 $0xD0000000, s2;
	s6 =	simm.s32 $0x108;
	_ =	swait.ge @!p0 [sflag:s8], $0x0  }
0x24: {  	s3 =	sadd.s32 $0x88, s3;
	s6 =	simm.s32 @!p1 $0x1082;
	[sflag:s4] =	ssyncset.s32 $0xFFFFF086  }
0x25: {  	[simem:s6], [sflag:s4] =	dma.local [hbm:s3], $0xF7A  }
0x26: {  	[smem:$0x3F8F] =	sst s1;
	(tag) =	ssettag s2;
	_ =	strace s9  }
0x27: {  	s1 =	sld [smem:$0x3F9F]  }
0x28: {  	s2 =	sld [smem:$0x3FA0]  }
0x29: {  	s4 =	sld [smem:$0x3FA2]  }
0x2a: {  	p0 =	seq.s32 s5, $0x0;
	s5 =	sld [smem:$0x3FA3]  }
0x2b: {  	s6 =	sld [smem:$0x3FA4]  }
0x2c: {  	s7 =	sld [smem:$0x3FA5]  }
0x2d: {  	s3 =	simm.s32 $0x108;
	s8 =	sld [smem:$0x3FA6]  }
0x2e: {  	s3 =	simm.s32 @!p0 $0x1082;
	s9 =	sld [smem:$0x3FA7]  }
0x2f: {  	lr =	sadd.s32 s0, s3;
	s0 =	sld [smem:$0x3F9E]  }
0x30: {  	s3 =	sld [smem:$0x3FA1]  }
0x31: {  	[smem:$0x3FAA] =	sst s10  }
0x32: {  	s10 =	sld [smem:$0x3FA8];
	_ =	sdelay $0x3  }
0x33: {  	p0 =	seq.s32 s10, $0x1;
	s10 =	sld [smem:$0x3FAA];
	_ =	sdelay $0x3  }
0x34: {  	[smem:$0x3FAA] =	sst s10  }
0x35: {  	s10 =	sld [smem:$0x3FA9];
	_ =	sdelay $0x3  }
0x36: {  	p1 =	seq.s32 s10, $0x1;
	s10 =	sld [smem:$0x3FAA];
	_ =	sdelay $0x3  }
0x37: {  	[smem:$0x3FAA] =	sst s10  }
0x38: {  	s10 =	sld [smem:$0x3FAB]  }
0x39: {  	_ = 	snop;
	(pc) =	sbr.ind lr, $3  }
0x3a: {  	_ = 	snop  }
0x3b: {  	_ = 	snop  }
0x3c: {  	p2 =	seq.s32 s10, $0x1;
	s10 =	sld [smem:$0x3FAA]  }
0x3d: {  	_ =	shalt  }
0x3e: {  	_ =	shalt  }
0x3f: {  	_ =	shalt  }
0x40: {  	_ =	shalt  }
0x41: {  	_ =	shalt  }
0x42: {  	_ =	shalt  }
0x43: {  	_ =	shalt  }
0x44: {  	_ =	shalt  }
0x45: {  	_ =	shalt  }
0x46: {  	_ =	shalt  }
0x47: {  	_ =	shalt  }
0x48: {  	_ =	shalt  }
0x49: {  	_ =	shalt  }
0x4a: {  	_ =	shalt  }
0x4b: {  	_ =	shalt  }
0x4c: {  	_ =	shalt  }
0x4d: {  	_ =	shalt  }
0x4e: {  	_ =	shalt  }
0x4f: {  	_ =	shalt  }
0x50: {  	_ =	shalt  }
0x51: {  	_ =	shalt  }
0x52: {  	_ =	shalt  }
0x53: {  	_ =	shalt  }
0x54: {  	_ =	shalt  }
0x55: {  	_ =	shalt  }
0x56: {  	_ =	shalt  }
0x57: {  	_ =	shalt  }
0x58: {  	_ =	shalt  }
0x59: {  	_ =	shalt  }
0x5a: {  	_ =	shalt  }
0x5b: {  	_ =	shalt  }
0x5c: {  	_ =	shalt  }
0x5d: {  	_ =	shalt  }
0x5e: {  	_ =	shalt  }
0x5f: {  	_ =	shalt  }
0x60: {  	_ =	shalt  }
0x61: {  	_ =	shalt  }
0x62: {  	_ =	shalt  }
0x63: {  	_ =	shalt  }
0x64: {  	_ =	shalt  }
0x65: {  	_ =	shalt  }
0x66: {  	_ =	shalt  }
0x67: {  	_ =	shalt  }
0x68: {  	_ =	shalt  }
0x69: {  	_ =	shalt  }
0x6a: {  	_ =	shalt  }
0x6b: {  	_ =	shalt  }
0x6c: {  	_ =	shalt  }
0x6d: {  	_ =	shalt  }
0x6e: {  	_ =	shalt  }
0x6f: {  	_ =	shalt  }
0x70: {  	_ =	shalt  }
0x71: {  	_ =	shalt  }
0x72: {  	_ =	shalt  }
0x73: {  	_ =	shalt  }
0x74: {  	_ =	shalt  }
0x75: {  	_ =	shalt  }
0x76: {  	_ =	shalt  }
0x77: {  	_ =	shalt  }
0x78: {  	_ =	shalt  }
0x79: {  	_ =	shalt  }
0x7a: {  	_ =	shalt  }
0x7b: {  	_ =	shalt  }
0x7c: {  	_ =	shalt  }
0x7d: {  	_ =	shalt  }
0x7e: {  	_ =	shalt  }
0x7f: {  	_ =	shalt  }
0x80: {  	_ =	shalt  }
0x81: {  	_ =	shalt  }
0x82: {  	_ =	shalt  }
0x83: {  	_ =	shalt  }
0x84: {  	_ =	shalt  }
0x85: {  	_ =	shalt  }
0x86: {  	_ =	shalt  }
0x87: {  	_ =	shalt  }
.Lfunc_end0:
.L_simem_size_0:
called_computation.1_lowered:
.L_overlay_start_0:
0x88: {  	s2 =	sld [smem:$0x3FD9]  }
0x89: {  	s3 =	sld [smem:$0x3FFE];
	_ =	sdelay $0x1  }
0x8a: {  	s1 =	srdreg.scid  }
0x8b: {  	s0 =	sand.u32 $0x1, s1  }
0x8c: {  	s16 =	sshll.u32 s0, $0xA;
	s2 =	sadd.s32 s3, s2  }
0x8d: {  	s2 =	sadd.s32 s2, s16  }
0x8e: {  	[smem:$0x3FB6] =	sst s2  }
0x8f: {  	_ = 	snop  }
0x90: {  	(tm) =	ssettm $0x1  }
0x91: {  	s17 =	sld [smem:$0x3FFB];
	_ =	sdelay $0x3  }
0x92: {  	_ =	strace s17  }
0x93: {  	s2 =	sld [smem:$0x3FFC];
	_ =	sdelay $0x3  }
0x94: {  	_ =	strace s2  }
0x95: {  	s2 =	sld [smem:$0x3FFD];
	_ =	sdelay $0x3  }
0x96: {  	_ =	strace s2  }
0x97: {  	_ =	strace $0x8FFFFFFF  }
0x98: {  	s18 =	sld [smem:$0x3FDB];
	_ =	sdelay $0x1  }
0x99: {  	s19 =	simm.s32 $_scs_section_size  }
0x9a: {  	s4 =	simm.s32 $_size__tile_overlayer_lowered;
	s5 =	simm.s32 $_tile_overlayer_lowered  }
0x9b: {  	s22 =	simm.s32 $0x1BFF;
	s21 =	sshll.u32 s5, $0x1;
	s2 =	sadd.s32 s19, s18  }
0x9c: {  	s6 =	simm.s32 $0x0;
	s20 =	sshll.u32 s4, $0x1;
	s4 =	sadd.s32 s21, s2  }
0x9d: {  	[timem:s6], [sflag:s22] =	dma.local [hbm:s4], s20  }
0x9e: {  	_ =	swait.ge [sflag:s22], s20  }
0x9f: {  	s3 =	ssub.s32 $0x0, s20;
	[sflag:s22] =	ssyncset.done $0x0  }
0xa0: {  	[sflag:s22] =	ssyncadd.s32 s3;
	_ =	sdelay $0x1  }
0xa1: {  	s23 =	simm.s32 $0x1B8B  }
0xa2: {  	_ =	swait.ge [sflag:s23], $0x1  }
0xa3: {  	[sflag:s23] =	ssyncset.done $0x0  }
0xa4: {  	s25 =	simm.s32 $0x1B8E;
	s24 =	sld [smem:$0x3FFE];
	[sflag:s23] =	ssyncadd.s32 $0xFFFFFFFF  }
0xa5: {  	s26 =	simm.s32 $execute0_lowered;
	[smem:$0x3FD2] =	sst s25  }
0xa6: {  	s4 =	sshll.u32 s26, $0x1;
	_ =	strace $0x80000049;
	[dreg:$0x1] =	wrdreg $0xFFFFFFFF  }
0xa7: {  	s28 =	simm.s32 $_size_execute0_lowered;
	s2 =	sadd.s32 s2, s4;
	[dreg:$0x0] =	wrdreg $0x0  }
0xa8: {  	s4 =	sshll.u32 s28, $0x1;
	[dreg:$0x2] =	wrdreg s2  }
0xa9: {  	[dreg:$0x3] =	wrdreg s4  }
0xaa: {  	[dreg:$0x4] =	wrdreg $0xC0  }
0xab: {  	_ =	task [dreg:s6], $0x5FFFF  }
0xac: {  	[dreg:$0x1] =	wrdreg $0xFFFFFFFF  }
0xad: {  	[dreg:$0x0] =	wrdreg $0x60  }
0xae: {  	[dreg:$0x2] =	wrdreg s24  }
0xaf: {  	[dreg:$0x3] =	wrdreg $0xA8000  }
0xb0: {  	[dreg:$0x4] =	wrdreg $0x9  }
0xb1: {  	_ =	task.clear_ibuf [dreg:s6], $0x5FFFF;
	_ =	strace $0x90000049  }
0xb2: {  	s29 =	simm.s32 $0x9;
	_ =	strace $0x8000004B  }
0xb3: {  	_ =	swait.ge [sflag:s29], $0x1  }
0xb4: {  	[sflag:s29] =	ssyncadd.s32 $0xFFFFFFFF  }
0xb5: {  	_ =	strace $0x9000004B  }
0xb6: {  	_ =	sfence  }
0xb7: {  	s30 =	sld [smem:$0x0];
	_ =	sdelay $0x2  }
0xb8: {  	s31 =	sshll.u32 s1, $0xD;
	s1 =	sshrl.u32 s1, $0x2  }
0xb9: {  	s3 =	sand.u32 $0x4000, s31;
	s1 =	sadd.s32 s1, s30  }
0xba: {  	s0 =	sor.u32 s3, s0;
	s1 =	sshll.u32 s1, $0x11  }
0xbb: {  	s0 =	sor.u32 s1, s0  }
0xbc: {  	s0 =	sadd.s32 $0x8F2B, s0  }
0xbd: {  	[sflag:s0] =	ssyncadd.remote.s32 $0x1  }
0xbe: {  	_ =	sfence.sel $0xFFFF  }
0xbf: {  	[dreg:$0x0] =	wrdreg $0xFFFFFFFF;
	(pc) =	sbr.abs _section_cstart, $3  }
0xc0: {  	[dreg:$0x1] =	wrdreg $0xFFFFFFFF  }
0xc1: {  	_ =	task.clear_ibuf [dreg:s6], $0x2FFFF;
	_ =	strace $0x9FFFFFFF  }
0xc2: {  	(tm) =	ssettm $0x7FFFFFFF  }
0xc3: {  	_ =	shalt  }
tec
execute0_lowered:
.L_overlay_start_1:
0x0: {  	(tag) =	ssettag $0x1  }
0x1: {  	s6 =	rddreg [dreg:$0x0]  }
0x2: {  	s1 =	rddreg [dreg:$0x1];
	s2 =	srdreg.scid  }
0x3: {  	s0 =	rddreg [dreg:$0x2];
	s3 =	simm.s32 $0x0;
	s15 =	simm.s32 $0x1400  }
0x4: {  	s16 =	simm.s32 $0x7D;
	s17 =	simm.s32 $0x2800;
	s18 =	simm.s32 $0x80  }
0x5: {  	s19 =	simm.s32 $0x6800;
	s20 =	simm.s32 $0x1;
	s21 =	simm.s32 $0x2  }
0x6: {  	s22 =	simm.s32 $0x2700;
	s23 =	simm.s32 $0x2780;
	s24 =	simm.s32 $0x0  }
0x7: {  	s7 =	sand.u32 $0x1, s2;
	[smem:$0x7FF] =	sst s3;
	s2 =	stileid.u32  }
0x8: {  	s4 =	sadd.s32 $0x16800, s6;
	s11 =	sadd.s32 $0x2800, s6;
	s12 =	sadd.s32 $0xC800, s6  }
0x9: {  	s5 =	sshll.u32 s7, $0x4;
	_ =	strace $0x8000004A;
	s9 =	sshll.u32 s2, $0x1  }
0xa: {  	s10 =	smul.u32 $0x50000, s2;
	s28 =	ssub.s32 $0x2, s7;
	s5 =	sor.u32 s2, s5  }
0xb: {  	s30 =	sshll.u32 s2, $0x6;
	s7 =	sor.u32 s7, s9;
	s8 =	smul.u32 $0x2800, s5  }
0xc: {  	s29 =	sshrl.u32 s28, $0x1;
	s10 =	sshrl.u32 s10, $0x2;
	s13 =	smul.u32 $0x2800, s7  }
0xd: {  	s5 =	sadd.s32 $0x3DA00, s6;
	s9 =	ssub.s32 s28, s29;
	s14 =	sadd.s32 s10, s1  }
0xe: {  	s8 =	sadd.s32 s8, s6;
	s6 =	sor.u32 $0x1C03, s30;
	s31 =	sshrl.u32 s13, $0x3  }
0xf: {  	s7 =	sadd.s32 $0x40200, s8;
	s8 =	smax.u32 s9, $0x1;
	s13 =	sadd.s32 $0x280, s31  }
0x10: {  	s9 =	sadd.s32 s11, s31;
	s10 =	sadd.s32 s12, s31;
	s11 =	sadd.s32 s11, s13  }
0x11: {  	s12 =	sadd.s32 s12, s13;
	s13 =	sshrl.u32 s14, $0x3;
	s14 =	simm.s32 $0x3  }
.LBB2_1:
0x12: {  	[spmem:s13], [sflag:s6] =	dma.local [hbm:s5], $0x2800  }
0x13: {  	_ =	swait.ge [sflag:s14], $0x2800  }
0x14: {  	[sflag:s14] =	ssyncset.done $0x0  }
0x15: {  	[sflag:s14] =	ssyncadd.s32 $0xFFFFD800  }
0x16: {  	[bflag:$0x0] =	sbarrier.arrive $0xFFFF  }
0x17: {  	[tilespmem:s3], [sflag:$0x3] =	stream.linear.gather [hbm4b:s9+s3], $0x1400, $0x38;
	[tilespmem:$0x1E800] =	vst v63  }
0x18: {  	_ =	swait.ge [sflag:s14], $0x1400  }
0x19: {  	[sflag:s14] =	ssyncset.done $0x0  }
0x1a: {  	[sflag:s14] =	ssyncadd.s32 $0xFFFFEC00  }
0x1b: {  	[tilespmem:s15], [sflag:$0x3] =	stream.linear.gather [hbm4b:s10+s3], $0x1400, $0x38;
	[tilespmem:$0x1E800] =	vst v63  }
0x1c: {  	_ =	swait.ge [sflag:s14], $0x1400  }
0x1d: {  	[sflag:s14] =	ssyncset.done $0x0  }
0x1e: {  	[sflag:s14] =	ssyncadd.s32 $0xFFFFEC00  }
0x1f: {  	[tilespmem:s17], [sflag:$0x1] =	stream.indirect.gather [hbm4b:s4+s16], $0x80, s3, s16, $0xb8;
	[tilespmem:$0x1E800] =	vst v63  }
0x20: {  	_ = 	snop  }
0x21: {  	[tilespmem:s19], [sflag:$0x2] =	stream.indirect.gather [hbm4b:s4+s16], $0x80, s18, s16, $0xb8;
	[tilespmem:$0x1E800] =	vst v63  }
0x22: {  	_ =	swait.ge [sflag:s20], $0x3E80  }
0x23: {  	[sflag:s20] =	ssyncset.done $0x0  }
0x24: {  	s25 =	simm.s32 $0x1400;
	[sflag:s20] =	ssyncadd.s32 $0xFFFFC180  }
0x25: {  	[spmem:s1] =	stream.indirect.scatter.add.f32 [tilespmem:s17], [sflag:$0x3], $0x80, s25, s16, $0xb8;
	[tilespmem:$0x1E800] =	vst v63  }
0x26: {  	_ =	swait.ge [sflag:s14], $0x3E80  }
0x27: {  	[sflag:s14] =	ssyncset.done $0x0  }
0x28: {  	s30 =	simm.s32 $0x100;
	[sflag:s14] =	ssyncadd.s32 $0xFFFFC180  }
0x29: {  	[tilespmem:s17], [sflag:$0x1] =	stream.indirect.gather [hbm4b:s4+s16], $0x80, s30, s16, $0xb8;
	[tilespmem:$0x1E800] =	vst v63  }
0x2a: {  	_ =	swait.ge [sflag:s21], $0x3E80  }
0x2b: {  	[sflag:s21] =	ssyncset.done $0x0  }
0x2c: {  	s31 =	simm.s32 $0x1480;
	[sflag:s21] =	ssyncadd.s32 $0xFFFFC180  }
0x2d: {  	[spmem:s1] =	stream.indirect.scatter.add.f32 [tilespmem:s19], [sflag:$0x3], $0x80, s31, s16, $0xb8;
	[tilespmem:$0x1E800] =	vst v63  }
0x2e: {  	_ =	swait.ge [sflag:s14], $0x3E80  }
0x2f: {  	[sflag:s14] =	ssyncset.done $0x0  }
0x30: {  	s26 =	simm.s32 $0x180;
	s25 =	simm.s32 $0x400;
	[sflag:s14] =	ssyncadd.s32 $0xFFFFC180  }
.LBB2_2:
0x31: {  	[tilespmem:s19], [sflag:$0x2] =	stream.indirect.gather [hbm4b:s4+s16], $0x80, s26, s16, $0xb8;
	[tilespmem:$0x1E800] =	vst v63  }
0x32: {  	s26 =	smov.u32 s25  }
0x33: {  	p0 =	sne.s32 s25, $0x4800;
	s25 =	sadd.s32 $0x400, s25;
	_ =	swait.ge [sflag:s20], $0x3E80  }
0x34: {  	s26 =	sshra.s32 s26, $0x2;
	[sflag:s20] =	ssyncset.done $0x0  }
0x35: {  	s28 =	sadd.s32 $0x1400, s26;
	[sflag:s20] =	ssyncadd.s32 $0xFFFFC180  }
0x36: {  	[spmem:s1] =	stream.indirect.scatter.add.f32 [tilespmem:s17], [sflag:$0x3], $0x80, s28, s16, $0xb8;
	[tilespmem:$0x1E800] =	vst v63  }
0x37: {  	_ =	swait.ge [sflag:s14], $0x3E80  }
0x38: {  	[sflag:s14] =	ssyncset.done $0x0  }
0x39: {  	s28 =	sadd.s32 $0x100, s26;
	[sflag:s14] =	ssyncadd.s32 $0xFFFFC180  }
0x3a: {  	[tilespmem:s17], [sflag:$0x1] =	stream.indirect.gather [hbm4b:s4+s16], $0x80, s28, s16, $0xb8;
	[tilespmem:$0x1E800] =	vst v63  }
0x3b: {  	_ =	swait.ge [sflag:s21], $0x3E80  }
0x3c: {  	[sflag:s21] =	ssyncset.done $0x0  }
.Ltmp0:
0x3d: {  	s28 =	sadd.s32 $0x1480, s26;
	[sflag:s21] =	ssyncadd.s32 $0xFFFFC180;
	(pc) =	sbr.rel @p0 .LBB2_2-.Ltmp0, $4  }
0x3e: {  	[spmem:s1] =	stream.indirect.scatter.add.f32 [tilespmem:s19], [sflag:$0x3], $0x80, s28, s16, $0xb8;
	[tilespmem:$0x1E800] =	vst v63  }
0x3f: {  	_ =	swait.ge [sflag:s14], $0x3E80  }
0x40: {  	[sflag:s14] =	ssyncset.done $0x0  }
0x41: {  	s26 =	sadd.s32 $0x180, s26;
	[sflag:s14] =	ssyncadd.s32 $0xFFFFC180  }
0x42: {  	[tilespmem:s19], [sflag:$0x2] =	stream.indirect.gather [hbm4b:s4+s16], $0x80, s26, s16, $0xb8;
	[tilespmem:$0x1E800] =	vst v63  }
0x43: {  	_ =	swait.ge [sflag:s20], $0x3E80  }
0x44: {  	[sflag:s20] =	ssyncset.done $0x0  }
0x45: {  	[sflag:s20] =	ssyncadd.s32 $0xFFFFC180  }
0x46: {  	[spmem:s1] =	stream.indirect.scatter.add.f32 [tilespmem:s17], [sflag:$0x3], $0x80, s22, s16, $0xb8;
	[tilespmem:$0x1E800] =	vst v63  }
0x47: {  	_ =	swait.ge [sflag:s14], $0x3E80  }
0x48: {  	[sflag:s14] =	ssyncset.done $0x0  }
0x49: {  	[sflag:s14] =	ssyncadd.s32 $0xFFFFC180  }
0x4a: {  	_ =	swait.ge [sflag:s21], $0x3E80  }
0x4b: {  	[sflag:s21] =	ssyncset.done $0x0  }
0x4c: {  	[sflag:s21] =	ssyncadd.s32 $0xFFFFC180  }
0x4d: {  	[spmem:s1] =	stream.indirect.scatter.add.f32 [tilespmem:s19], [sflag:$0x3], $0x80, s23, s16, $0xb8;
	[tilespmem:$0x1E800] =	vst v63  }
0x4e: {  	_ =	swait.ge [sflag:s14], $0x3E80  }
0x4f: {  	[sflag:s14] =	ssyncset.done $0x0  }
0x50: {  	s25 =	simm.s32 $0x0;
	[sflag:s14] =	ssyncadd.s32 $0xFFFFC180  }
0x51: {  	[tilespmem:s25], [sflag:$0x3] =	stream.linear.gather [hbm4b:s11+s25], $0x1400, $0x38;
	[tilespmem:$0x1E800] =	vst v63  }
0x52: {  	_ =	swait.ge [sflag:s14], $0x1400  }
0x53: {  	[sflag:s14] =	ssyncset.done $0x0  }
0x54: {  	[sflag:s14] =	ssyncadd.s32 $0xFFFFEC00  }
0x55: {  	[tilespmem:s15], [sflag:$0x3] =	stream.linear.gather [hbm4b:s12+s25], $0x1400, $0x38;
	[tilespmem:$0x1E800] =	vst v63  }
0x56: {  	_ =	swait.ge [sflag:s14], $0x1400  }
0x57: {  	[sflag:s14] =	ssyncset.done $0x0  }
0x58: {  	[sflag:s14] =	ssyncadd.s32 $0xFFFFEC00  }
0x59: {  	[tilespmem:s17], [sflag:$0x1] =	stream.indirect.gather [hbm4b:s4+s16], $0x80, s25, s16, $0xb8;
	[tilespmem:$0x1E800] =	vst v63  }
0x5a: {  	_ = 	snop  }
0x5b: {  	[tilespmem:s19], [sflag:$0x2] =	stream.indirect.gather [hbm4b:s4+s16], $0x80, s18, s16, $0xb8;
	[tilespmem:$0x1E800] =	vst v63  }
0x5c: {  	_ =	swait.ge [sflag:s20], $0x3E80  }
0x5d: {  	[sflag:s20] =	ssyncset.done $0x0  }
0x5e: {  	s29 =	simm.s32 $0x1400;
	[sflag:s20] =	ssyncadd.s32 $0xFFFFC180  }
0x5f: {  	[spmem:s1] =	stream.indirect.scatter.add.f32 [tilespmem:s17], [sflag:$0x3], $0x80, s29, s16, $0xb8;
	[tilespmem:$0x1E800] =	vst v63  }
0x60: {  	_ =	swait.ge [sflag:s14], $0x3E80  }
0x61: {  	[sflag:s14] =	ssyncset.done $0x0  }
0x62: {  	s30 =	simm.s32 $0x100;
	[sflag:s14] =	ssyncadd.s32 $0xFFFFC180  }
0x63: {  	[tilespmem:s17], [sflag:$0x1] =	stream.indirect.gather [hbm4b:s4+s16], $0x80, s30, s16, $0xb8;
	[tilespmem:$0x1E800] =	vst v63  }
0x64: {  	_ =	swait.ge [sflag:s21], $0x3E80  }
0x65: {  	[sflag:s21] =	ssyncset.done $0x0  }
0x66: {  	s31 =	simm.s32 $0x1480;
	[sflag:s21] =	ssyncadd.s32 $0xFFFFC180  }
0x67: {  	[spmem:s1] =	stream.indirect.scatter.add.f32 [tilespmem:s19], [sflag:$0x3], $0x80, s31, s16, $0xb8;
	[tilespmem:$0x1E800] =	vst v63  }
0x68: {  	_ =	swait.ge [sflag:s14], $0x3E80  }
0x69: {  	[sflag:s14] =	ssyncset.done $0x0  }
0x6a: {  	s26 =	simm.s32 $0x180;
	s25 =	simm.s32 $0x400;
	[sflag:s14] =	ssyncadd.s32 $0xFFFFC180  }
.LBB2_4:
0x6b: {  	[tilespmem:s19], [sflag:$0x2] =	stream.indirect.gather [hbm4b:s4+s16], $0x80, s26, s16, $0xb8;
	[tilespmem:$0x1E800] =	vst v63  }
0x6c: {  	s26 =	smov.u32 s25  }
0x6d: {  	p0 =	sne.s32 s25, $0x4800;
	s25 =	sadd.s32 $0x400, s25;
	_ =	swait.ge [sflag:s20], $0x3E80  }
0x6e: {  	s26 =	sshra.s32 s26, $0x2;
	[sflag:s20] =	ssyncset.done $0x0  }
0x6f: {  	s28 =	sadd.s32 $0x1400, s26;
	[sflag:s20] =	ssyncadd.s32 $0xFFFFC180  }
0x70: {  	[spmem:s1] =	stream.indirect.scatter.add.f32 [tilespmem:s17], [sflag:$0x3], $0x80, s28, s16, $0xb8;
	[tilespmem:$0x1E800] =	vst v63  }
0x71: {  	_ =	swait.ge [sflag:s14], $0x3E80  }
0x72: {  	[sflag:s14] =	ssyncset.done $0x0  }
0x73: {  	s28 =	sadd.s32 $0x100, s26;
	[sflag:s14] =	ssyncadd.s32 $0xFFFFC180  }
0x74: {  	[tilespmem:s17], [sflag:$0x1] =	stream.indirect.gather [hbm4b:s4+s16], $0x80, s28, s16, $0xb8;
	[tilespmem:$0x1E800] =	vst v63  }
0x75: {  	_ =	swait.ge [sflag:s21], $0x3E80  }
0x76: {  	[sflag:s21] =	ssyncset.done $0x0  }
.Ltmp1:
0x77: {  	s28 =	sadd.s32 $0x1480, s26;
	[sflag:s21] =	ssyncadd.s32 $0xFFFFC180;
	(pc) =	sbr.rel @p0 .LBB2_4-.Ltmp1, $4  }
0x78: {  	[spmem:s1] =	stream.indirect.scatter.add.f32 [tilespmem:s19], [sflag:$0x3], $0x80, s28, s16, $0xb8;
	[tilespmem:$0x1E800] =	vst v63  }
0x79: {  	_ =	swait.ge [sflag:s14], $0x3E80  }
0x7a: {  	[sflag:s14] =	ssyncset.done $0x0  }
0x7b: {  	s26 =	sadd.s32 $0x180, s26;
	[sflag:s14] =	ssyncadd.s32 $0xFFFFC180  }
0x7c: {  	[tilespmem:s19], [sflag:$0x2] =	stream.indirect.gather [hbm4b:s4+s16], $0x80, s26, s16, $0xb8;
	[tilespmem:$0x1E800] =	vst v63  }
0x7d: {  	_ =	swait.ge [sflag:s20], $0x3E80  }
0x7e: {  	[sflag:s20] =	ssyncset.done $0x0  }
0x7f: {  	[sflag:s20] =	ssyncadd.s32 $0xFFFFC180  }
0x80: {  	[spmem:s1] =	stream.indirect.scatter.add.f32 [tilespmem:s17], [sflag:$0x3], $0x80, s22, s16, $0xb8;
	[tilespmem:$0x1E800] =	vst v63  }
0x81: {  	_ =	swait.ge [sflag:s14], $0x3E80  }
0x82: {  	[sflag:s14] =	ssyncset.done $0x0  }
0x83: {  	[sflag:s14] =	ssyncadd.s32 $0xFFFFC180  }
0x84: {  	_ =	swait.ge [sflag:s21], $0x3E80  }
0x85: {  	[sflag:s21] =	ssyncset.done $0x0  }
0x86: {  	[sflag:s21] =	ssyncadd.s32 $0xFFFFC180  }
0x87: {  	[spmem:s1] =	stream.indirect.scatter.add.f32 [tilespmem:s19], [sflag:$0x3], $0x80, s23, s16, $0xb8;
	[tilespmem:$0x1E800] =	vst v63  }
0x88: {  	_ =	swait.ge [sflag:s14], $0x3E80  }
0x89: {  	s24 =	sadd.s32 $0x1, s24;
	[sflag:s14] =	ssyncset.done $0x0  }
0x8a: {  	p0 =	sne.s32 s24, s8;
	[sflag:s14] =	ssyncadd.s32 $0xFFFFC180  }
.Ltmp2:
0x8b: {  	[bflag:$0x0] =	sbarrier.arrive $0xFFFF;
	(pc) =	sbr.rel @p0 .LBB2_1-.Ltmp2, $4  }
0x8c: {  	[hbm:s7], [sflag:s6] =	dma.local [spmem:s13], $0x2800  }
0x8d: {  	_ =	swait.ge [sflag:s14], $0x2800  }
0x8e: {  	[sflag:s14] =	ssyncset.done $0x0  }
0x8f: {  	[sflag:s14] =	ssyncadd.s32 $0xFFFFD800  }
0x90: {  	_ =	sfence.sel $0x180000  }
0x91: {  	[bflag:$0x0] =	sbarrier.arrive $0xFFFF  }
0x92: {  	p0 =	sne.s32 s2, $0x0;
	_ =	strace $0x9000004A  }
0x93: {  	s0 =	sadd.s32 @!p0 $0x100000, s0;
	[bflag:$0x2] =	sbarrier.arrive $0xFFFF  }
0x94: {  	[sflag:s0] =	ssyncadd.tile.s32 @!p0 $0x1;
	_ =	shalt  }
.Lfunc_end2:
_tile_overlayer_lowered:
.L_overlay_start_2:
0x95: {  	(tag) =	ssettag $0x2  }
0x96: {  	s0 =	rddreg [dreg:$0x0];
	s2 =	stileid.u32  }
0x97: {  	s1 =	rddreg [dreg:$0x1];
	p0 =	sne.s32 s2, $0x0  }
0x98: {  	s3 =	rddreg [dreg:$0x2];
	[bflag:$0x3] =	sbarrier.arrive $0xFFFF;
	s2 =	simm.s32 @!p0 $0x1C03  }
0x99: {  	[timem:s3], [sflag:s2] =	dma.local @!p0 [hbm:s0], s1  }
0x9a: {  	s0 =	simm.s32 @!p0 $0x3  }
0x9b: {  	_ =	swait.ge @!p0 [sflag:s0], s1  }
0x9c: {  	s1 =	ssub.s32 @!p0 $0x0, s1;
	[sflag:s0] =	ssyncset.done @!p0 $0x0  }
0x9d: {  	[sflag:s0] =	ssyncadd.s32 @!p0 s1  }
0x9e: {  	[bflag:$0x3] =	sbarrier.arrive $0xFFFF  }
0x9f: {  	_ =	shalt  }

// kernel: kernel.9.cloned.1.call-start
scs
__scs_entry_jumppad:
0x0: {  	(pc) =	sbr.rel $0x88, $3  }
0x1: {  	(tag) =	ssettag $0x0;
	lr =	simm.s32 $0x1  }
0x2: {  	[smem:$0x3F8F] =	sst lr;
	_ =	strace $0xD0000000  }
0x3: {  	_ = 	snop  }
0x4: {  	_ = 	snop  }
0x5: {  	_ = 	snop  }
0x6: {  	_ = 	snop  }
0x7: {  	_ = 	snop  }
__scs_overlays_trampoline_lowered:
0x8: {  	[smem:$0x3F9E] =	sst s0  }
0x9: {  	[smem:$0x3F9F] =	sst s1  }
0xa: {  	[smem:$0x3FA0] =	sst s2  }
0xb: {  	[smem:$0x3FA1] =	sst s3  }
0xc: {  	[smem:$0x3FA2] =	sst s4  }
0xd: {  	[smem:$0x3FA3] =	sst s5  }
0xe: {  	[smem:$0x3FA4] =	sst s6  }
0xf: {  	[smem:$0x3FA5] =	sst s7  }
0x10: {  	[smem:$0x3FA6] =	sst s8  }
0x11: {  	[smem:$0x3FA7] =	sst s9;
	s0 =	simm.s32 @!p0 $0x0  }
0x12: {  	s1 =	sld [smem:$0x3F8D];
	s0 =	simm.s32 @p0 $0x1  }
0x13: {  	[smem:$0x3FA8] =	sst s0;
	s0 =	simm.s32 @!p1 $0x0  }
0x14: {  	s2 =	sld [smem:$0x3F8C];
	s0 =	simm.s32 @p1 $0x1  }
0x15: {  	[smem:$0x3FA9] =	sst s0;
	s0 =	simm.s32 @!p2 $0x0  }
0x16: {  	s3 =	sld [smem:$0x3FDB];
	s0 =	simm.s32 @p2 $0x1  }
0x17: {  	s4 =	simm.s32 $0x1BF5;
	[smem:$0x3FAB] =	sst s0  }
0x18: {  	s0 =	sld [smem:$0x3F8E];
	_ =	swait.ge [sflag:s4], $0x0  }
0x19: {  	s7 =	sld [smem:$0x3F8F]  }
0x1a: {  	s8 =	sadd.s32 $0xFFFFE003, lr  }
0x1b: {  	s9 =	sadd.s32 $0xFFFFFEF7, lr;
	s5 =	simm.s32 $0xFFFFFFFF;
	p2 =	slt.u32 s8, $0xFFFFF086  }
0x1c: {  	p1 =	slt.u32 s9, $0xF7A;
	s5 =	simm.s32 @!p2 $0x0  }
0x1d: {  	s5 =	simm.s32 @p1 $0x1;
	p0 =	seq.s32 s7, s2  }
0x1e: {  	s7 =	smul.u32 @!p0 $0xF7A, s2;
	p2 =	seq.s32 @!p0 s5, $0x0  }
0x1f: {  	s9 =	smul.u32 $0xF7A, s1;
	s8 =	simm.s32 @!p0 $0x1BF5;
	p2 =	por !p2, p0  }
0x20: {  	[sflag:s8] =	ssyncset.s32 @!p0 $0xFFFFF086;
	s6 =	sadd.s32 @!p0 s3, s7;
	s7 =	simm.s32 @!p0 $0x108  }
0x21: {  	s3 =	sadd.s32 s3, s9;
	s6 =	sadd.s32 @!p0 $0x88, s6;
	s7 =	simm.s32 @p2 $0x1082  }
0x22: {  	[simem:s7], [sflag:s8] =	dma.local @!p0 [hbm:s6], $0xF7A  }
0x23: {  	s9 =	sor.u32 $0xD0000000, s2;
	s6 =	simm.s32 $0x108;
	_ =	swait.ge @!p0 [sflag:s8], $0x0  }
0x24: {  	s3 =	sadd.s32 $0x88, s3;
	s6 =	simm.s32 @!p1 $0x1082;
	[sflag:s4] =	ssyncset.s32 $0xFFFFF086  }
0x25: {  	[simem:s6], [sflag:s4] =	dma.local [hbm:s3], $0xF7A  }
0x26: {  	[smem:$0x3F8F] =	sst s1;
	(tag) =	ssettag s2;
	_ =	strace s9  }
0x27: {  	s1 =	sld [smem:$0x3F9F]  }
0x28: {  	s2 =	sld [smem:$0x3FA0]  }
0x29: {  	s4 =	sld [smem:$0x3FA2]  }
0x2a: {  	p0 =	seq.s32 s5, $0x0;
	s5 =	sld [smem:$0x3FA3]  }
0x2b: {  	s6 =	sld [smem:$0x3FA4]  }
0x2c: {  	s7 =	sld [smem:$0x3FA5]  }
0x2d: {  	s3 =	simm.s32 $0x108;
	s8 =	sld [smem:$0x3FA6]  }
0x2e: {  	s3 =	simm.s32 @!p0 $0x1082;
	s9 =	sld [smem:$0x3FA7]  }
0x2f: {  	lr =	sadd.s32 s0, s3;
	s0 =	sld [smem:$0x3F9E]  }
0x30: {  	s3 =	sld [smem:$0x3FA1]  }
0x31: {  	[smem:$0x3FAA] =	sst s10  }
0x32: {  	s10 =	sld [smem:$0x3FA8];
	_ =	sdelay $0x3  }
0x33: {  	p0 =	seq.s32 s10, $0x1;
	s10 =	sld [smem:$0x3FAA];
	_ =	sdelay $0x3  }
0x34: {  	[smem:$0x3FAA] =	sst s10  }
0x35: {  	s10 =	sld [smem:$0x3FA9];
	_ =	sdelay $0x3  }
0x36: {  	p1 =	seq.s32 s10, $0x1;
	s10 =	sld [smem:$0x3FAA];
	_ =	sdelay $0x3  }
0x37: {  	[smem:$0x3FAA] =	sst s10  }
0x38: {  	s10 =	sld [smem:$0x3FAB]  }
0x39: {  	_ = 	snop;
	(pc) =	sbr.ind lr, $3  }
0x3a: {  	_ = 	snop  }
0x3b: {  	_ = 	snop  }
0x3c: {  	p2 =	seq.s32 s10, $0x1;
	s10 =	sld [smem:$0x3FAA]  }
0x3d: {  	_ =	shalt  }
0x3e: {  	_ =	shalt  }
0x3f: {  	_ =	shalt  }
0x40: {  	_ =	shalt  }
0x41: {  	_ =	shalt  }
0x42: {  	_ =	shalt  }
0x43: {  	_ =	shalt  }
0x44: {  	_ =	shalt  }
0x45: {  	_ =	shalt  }
0x46: {  	_ =	shalt  }
0x47: {  	_ =	shalt  }
0x48: {  	_ =	shalt  }
0x49: {  	_ =	shalt  }
0x4a: {  	_ =	shalt  }
0x4b: {  	_ =	shalt  }
0x4c: {  	_ =	shalt  }
0x4d: {  	_ =	shalt  }
0x4e: {  	_ =	shalt  }
0x4f: {  	_ =	shalt  }
0x50: {  	_ =	shalt  }
0x51: {  	_ =	shalt  }
0x52: {  	_ =	shalt  }
0x53: {  	_ =	shalt  }
0x54: {  	_ =	shalt  }
0x55: {  	_ =	shalt  }
0x56: {  	_ =	shalt  }
0x57: {  	_ =	shalt  }
0x58: {  	_ =	shalt  }
0x59: {  	_ =	shalt  }
0x5a: {  	_ =	shalt  }
0x5b: {  	_ =	shalt  }
0x5c: {  	_ =	shalt  }
0x5d: {  	_ =	shalt  }
0x5e: {  	_ =	shalt  }
0x5f: {  	_ =	shalt  }
0x60: {  	_ =	shalt  }
0x61: {  	_ =	shalt  }
0x62: {  	_ =	shalt  }
0x63: {  	_ =	shalt  }
0x64: {  	_ =	shalt  }
0x65: {  	_ =	shalt  }
0x66: {  	_ =	shalt  }
0x67: {  	_ =	shalt  }
0x68: {  	_ =	shalt  }
0x69: {  	_ =	shalt  }
0x6a: {  	_ =	shalt  }
0x6b: {  	_ =	shalt  }
0x6c: {  	_ =	shalt  }
0x6d: {  	_ =	shalt  }
0x6e: {  	_ =	shalt  }
0x6f: {  	_ =	shalt  }
0x70: {  	_ =	shalt  }
0x71: {  	_ =	shalt  }
0x72: {  	_ =	shalt  }
0x73: {  	_ =	shalt  }
0x74: {  	_ =	shalt  }
0x75: {  	_ =	shalt  }
0x76: {  	_ =	shalt  }
0x77: {  	_ =	shalt  }
0x78: {  	_ =	shalt  }
0x79: {  	_ =	shalt  }
0x7a: {  	_ =	shalt  }
0x7b: {  	_ =	shalt  }
0x7c: {  	_ =	shalt  }
0x7d: {  	_ =	shalt  }
0x7e: {  	_ =	shalt  }
0x7f: {  	_ =	shalt  }
0x80: {  	_ =	shalt  }
0x81: {  	_ =	shalt  }
0x82: {  	_ =	shalt  }
0x83: {  	_ =	shalt  }
0x84: {  	_ =	shalt  }
0x85: {  	_ =	shalt  }
0x86: {  	_ =	shalt  }
0x87: {  	_ =	shalt  }
.Lfunc_end0:
.L_simem_size_0:
called_computation_lowered:
.L_overlay_start_0:
0x88: {  	s2 =	sld [smem:$0x3FD9]  }
0x89: {  	s3 =	sld [smem:$0x3FFE];
	_ =	sdelay $0x1  }
0x8a: {  	s1 =	srdreg.scid  }
0x8b: {  	s0 =	sand.u32 $0x1, s1  }
0x8c: {  	s16 =	sshll.u32 s0, $0xA;
	s2 =	sadd.s32 s3, s2  }
0x8d: {  	s2 =	sadd.s32 s2, s16  }
0x8e: {  	[smem:$0x3FB6] =	sst s2  }
0x8f: {  	_ = 	snop  }
0x90: {  	(tm) =	ssettm $0x1  }
0x91: {  	s17 =	sld [smem:$0x3FFB];
	_ =	sdelay $0x3  }
0x92: {  	_ =	strace s17  }
0x93: {  	s2 =	sld [smem:$0x3FFC];
	_ =	sdelay $0x3  }
0x94: {  	_ =	strace s2  }
0x95: {  	s2 =	sld [smem:$0x3FFD];
	_ =	sdelay $0x3  }
0x96: {  	_ =	strace s2  }
0x97: {  	_ =	strace $0x8FFFFFFF  }
0x98: {  	s18 =	sld [smem:$0x3FDB];
	_ =	sdelay $0x1  }
0x99: {  	s19 =	simm.s32 $_scs_section_size  }
0x9a: {  	s4 =	simm.s32 $_size__tile_overlayer_lowered;
	s5 =	simm.s32 $_tile_overlayer_lowered  }
0x9b: {  	s22 =	simm.s32 $0x1BFF;
	s21 =	sshll.u32 s5, $0x1;
	s2 =	sadd.s32 s19, s18  }
0x9c: {  	s6 =	simm.s32 $0x0;
	s20 =	sshll.u32 s4, $0x1;
	s4 =	sadd.s32 s21, s2  }
0x9d: {  	[timem:s6], [sflag:s22] =	dma.local [hbm:s4], s20  }
0x9e: {  	_ =	swait.ge [sflag:s22], s20  }
0x9f: {  	s3 =	ssub.s32 $0x0, s20;
	[sflag:s22] =	ssyncset.done $0x0  }
0xa0: {  	[sflag:s22] =	ssyncadd.s32 s3;
	_ =	sdelay $0x1  }
0xa1: {  	s23 =	simm.s32 $0x1B8B  }
0xa2: {  	_ =	swait.ge [sflag:s23], $0x1  }
0xa3: {  	[sflag:s23] =	ssyncset.done $0x0  }
0xa4: {  	s25 =	simm.s32 $0x1B8E;
	s24 =	sld [smem:$0x3FFE];
	[sflag:s23] =	ssyncadd.s32 $0xFFFFFFFF  }
0xa5: {  	s26 =	simm.s32 $execute0_lowered;
	[smem:$0x3FD2] =	sst s25  }
0xa6: {  	s4 =	sshll.u32 s26, $0x1;
	_ =	strace $0x80000046;
	[dreg:$0x1] =	wrdreg $0xFFFFFFFF  }
0xa7: {  	s28 =	simm.s32 $_size_execute0_lowered;
	s2 =	sadd.s32 s2, s4;
	[dreg:$0x0] =	wrdreg $0x0  }
0xa8: {  	s4 =	sshll.u32 s28, $0x1;
	[dreg:$0x2] =	wrdreg s2  }
0xa9: {  	[dreg:$0x3] =	wrdreg s4  }
0xaa: {  	[dreg:$0x4] =	wrdreg $0xC0  }
0xab: {  	_ =	task [dreg:s6], $0x5FFFF  }
0xac: {  	[dreg:$0x1] =	wrdreg $0xFFFFFFFF  }
0xad: {  	[dreg:$0x0] =	wrdreg $0x60  }
0xae: {  	[dreg:$0x2] =	wrdreg s24  }
0xaf: {  	[dreg:$0x3] =	wrdreg $0xA8000  }
0xb0: {  	[dreg:$0x4] =	wrdreg $0x9  }
0xb1: {  	_ =	task.clear_ibuf [dreg:s6], $0x5FFFF;
	_ =	strace $0x90000046  }
0xb2: {  	s29 =	simm.s32 $0x9;
	_ =	strace $0x80000048  }
0xb3: {  	_ =	swait.ge [sflag:s29], $0x1  }
0xb4: {  	[sflag:s29] =	ssyncadd.s32 $0xFFFFFFFF  }
0xb5: {  	_ =	strace $0x90000048  }
0xb6: {  	_ =	sfence  }
0xb7: {  	s30 =	sld [smem:$0x0];
	_ =	sdelay $0x2  }
0xb8: {  	s31 =	sshll.u32 s1, $0xD;
	s1 =	sshrl.u32 s1, $0x2  }
0xb9: {  	s3 =	sand.u32 $0x4000, s31;
	s1 =	sadd.s32 s1, s30  }
0xba: {  	s0 =	sor.u32 s3, s0;
	s1 =	sshll.u32 s1, $0x11  }
0xbb: {  	s0 =	sor.u32 s1, s0  }
0xbc: {  	s0 =	sadd.s32 $0x8F2B, s0  }
0xbd: {  	[sflag:s0] =	ssyncadd.remote.s32 $0x1  }
0xbe: {  	_ =	sfence.sel $0xFFFF  }
0xbf: {  	[dreg:$0x0] =	wrdreg $0xFFFFFFFF;
	(pc) =	sbr.abs _section_cstart, $3  }
0xc0: {  	[dreg:$0x1] =	wrdreg $0xFFFFFFFF  }
0xc1: {  	_ =	task.clear_ibuf [dreg:s6], $0x2FFFF;
	_ =	strace $0x9FFFFFFF  }
0xc2: {  	(tm) =	ssettm $0x7FFFFFFF  }
0xc3: {  	_ =	shalt  }
tec
execute0_lowered:
.L_overlay_start_1:
0x0: {  	(tag) =	ssettag $0x1  }
0x1: {  	s6 =	rddreg [dreg:$0x0]  }
0x2: {  	s1 =	rddreg [dreg:$0x1];
	s2 =	srdreg.scid  }
0x3: {  	s0 =	rddreg [dreg:$0x2];
	s3 =	simm.s32 $0x0;
	s15 =	simm.s32 $0x1400  }
0x4: {  	s16 =	simm.s32 $0x7D;
	s17 =	simm.s32 $0x2800;
	s18 =	simm.s32 $0x80  }
0x5: {  	s19 =	simm.s32 $0x6800;
	s20 =	simm.s32 $0x1;
	s21 =	simm.s32 $0x2  }
0x6: {  	s22 =	simm.s32 $0x2700;
	s23 =	simm.s32 $0x2780;
	s24 =	simm.s32 $0x0  }
0x7: {  	s7 =	sand.u32 $0x1, s2;
	[smem:$0x7FF] =	sst s3;
	s2 =	stileid.u32  }
0x8: {  	s4 =	sadd.s32 $0x16800, s6;
	s11 =	sadd.s32 $0x2800, s6;
	s12 =	sadd.s32 $0xC800, s6  }
0x9: {  	s5 =	sshll.u32 s7, $0x4;
	_ =	strace $0x80000047;
	s9 =	sshll.u32 s2, $0x1  }
0xa: {  	s10 =	smul.u32 $0x50000, s2;
	s28 =	ssub.s32 $0x2, s7;
	s5 =	sor.u32 s2, s5  }
0xb: {  	s30 =	sshll.u32 s2, $0x6;
	s7 =	sor.u32 s7, s9;
	s8 =	smul.u32 $0x2800, s5  }
0xc: {  	s29 =	sshrl.u32 s28, $0x1;
	s10 =	sshrl.u32 s10, $0x2;
	s13 =	smul.u32 $0x2800, s7  }
0xd: {  	s5 =	sadd.s32 $0x3DA00, s6;
	s9 =	ssub.s32 s28, s29;
	s14 =	sadd.s32 s10, s1  }
0xe: {  	s8 =	sadd.s32 s8, s6;
	s6 =	sor.u32 $0x1C03, s30;
	s31 =	sshrl.u32 s13, $0x3  }
0xf: {  	s7 =	sadd.s32 $0x40200, s8;
	s8 =	smax.u32 s9, $0x1;
	s13 =	sadd.s32 $0x280, s31  }
0x10: {  	s9 =	sadd.s32 s11, s31;
	s10 =	sadd.s32 s12, s31;
	s11 =	sadd.s32 s11, s13  }
0x11: {  	s12 =	sadd.s32 s12, s13;
	s13 =	sshrl.u32 s14, $0x3;
	s14 =	simm.s32 $0x3  }
.LBB2_1:
0x12: {  	[spmem:s13], [sflag:s6] =	dma.local [hbm:s5], $0x2800  }
0x13: {  	_ =	swait.ge [sflag:s14], $0x2800  }
0x14: {  	[sflag:s14] =	ssyncset.done $0x0  }
0x15: {  	[sflag:s14] =	ssyncadd.s32 $0xFFFFD800  }
0x16: {  	[bflag:$0x0] =	sbarrier.arrive $0xFFFF  }
0x17: {  	[tilespmem:s3], [sflag:$0x3] =	stream.linear.gather [hbm4b:s9+s3], $0x1400, $0x38;
	[tilespmem:$0x1E800] =	vst v63  }
0x18: {  	_ =	swait.ge [sflag:s14], $0x1400  }
0x19: {  	[sflag:s14] =	ssyncset.done $0x0  }
0x1a: {  	[sflag:s14] =	ssyncadd.s32 $0xFFFFEC00  }
0x1b: {  	[tilespmem:s15], [sflag:$0x3] =	stream.linear.gather [hbm4b:s10+s3], $0x1400, $0x38;
	[tilespmem:$0x1E800] =	vst v63  }
0x1c: {  	_ =	swait.ge [sflag:s14], $0x1400  }
0x1d: {  	[sflag:s14] =	ssyncset.done $0x0  }
0x1e: {  	[sflag:s14] =	ssyncadd.s32 $0xFFFFEC00  }
0x1f: {  	[tilespmem:s17], [sflag:$0x1] =	stream.indirect.gather [hbm4b:s4+s16], $0x80, s3, s16, $0xb8;
	[tilespmem:$0x1E800] =	vst v63  }
0x20: {  	_ = 	snop  }
0x21: {  	[tilespmem:s19], [sflag:$0x2] =	stream.indirect.gather [hbm4b:s4+s16], $0x80, s18, s16, $0xb8;
	[tilespmem:$0x1E800] =	vst v63  }
0x22: {  	_ =	swait.ge [sflag:s20], $0x3E80  }
0x23: {  	[sflag:s20] =	ssyncset.done $0x0  }
0x24: {  	s25 =	simm.s32 $0x1400;
	[sflag:s20] =	ssyncadd.s32 $0xFFFFC180  }
0x25: {  	[spmem:s1] =	stream.indirect.scatter.add.f32 [tilespmem:s17], [sflag:$0x3], $0x80, s25, s16, $0xb8;
	[tilespmem:$0x1E800] =	vst v63  }
0x26: {  	_ =	swait.ge [sflag:s14], $0x3E80  }
0x27: {  	[sflag:s14] =	ssyncset.done $0x0  }
0x28: {  	s30 =	simm.s32 $0x100;
	[sflag:s14] =	ssyncadd.s32 $0xFFFFC180  }
0x29: {  	[tilespmem:s17], [sflag:$0x1] =	stream.indirect.gather [hbm4b:s4+s16], $0x80, s30, s16, $0xb8;
	[tilespmem:$0x1E800] =	vst v63  }
0x2a: {  	_ =	swait.ge [sflag:s21], $0x3E80  }
0x2b: {  	[sflag:s21] =	ssyncset.done $0x0  }
0x2c: {  	s31 =	simm.s32 $0x1480;
	[sflag:s21] =	ssyncadd.s32 $0xFFFFC180  }
0x2d: {  	[spmem:s1] =	stream.indirect.scatter.add.f32 [tilespmem:s19], [sflag:$0x3], $0x80, s31, s16, $0xb8;
	[tilespmem:$0x1E800] =	vst v63  }
0x2e: {  	_ =	swait.ge [sflag:s14], $0x3E80  }
0x2f: {  	[sflag:s14] =	ssyncset.done $0x0  }
0x30: {  	s26 =	simm.s32 $0x180;
	s25 =	simm.s32 $0x400;
	[sflag:s14] =	ssyncadd.s32 $0xFFFFC180  }
.LBB2_2:
0x31: {  	[tilespmem:s19], [sflag:$0x2] =	stream.indirect.gather [hbm4b:s4+s16], $0x80, s26, s16, $0xb8;
	[tilespmem:$0x1E800] =	vst v63  }
0x32: {  	s26 =	smov.u32 s25  }
0x33: {  	p0 =	sne.s32 s25, $0x4800;
	s25 =	sadd.s32 $0x400, s25;
	_ =	swait.ge [sflag:s20], $0x3E80  }
0x34: {  	s26 =	sshra.s32 s26, $0x2;
	[sflag:s20] =	ssyncset.done $0x0  }
0x35: {  	s28 =	sadd.s32 $0x1400, s26;
	[sflag:s20] =	ssyncadd.s32 $0xFFFFC180  }
0x36: {  	[spmem:s1] =	stream.indirect.scatter.add.f32 [tilespmem:s17], [sflag:$0x3], $0x80, s28, s16, $0xb8;
	[tilespmem:$0x1E800] =	vst v63  }
0x37: {  	_ =	swait.ge [sflag:s14], $0x3E80  }
0x38: {  	[sflag:s14] =	ssyncset.done $0x0  }
0x39: {  	s28 =	sadd.s32 $0x100, s26;
	[sflag:s14] =	ssyncadd.s32 $0xFFFFC180  }
0x3a: {  	[tilespmem:s17], [sflag:$0x1] =	stream.indirect.gather [hbm4b:s4+s16], $0x80, s28, s16, $0xb8;
	[tilespmem:$0x1E800] =	vst v63  }
0x3b: {  	_ =	swait.ge [sflag:s21], $0x3E80  }
0x3c: {  	[sflag:s21] =	ssyncset.done $0x0  }
.Ltmp0:
0x3d: {  	s28 =	sadd.s32 $0x1480, s26;
	[sflag:s21] =	ssyncadd.s32 $0xFFFFC180;
	(pc) =	sbr.rel @p0 .LBB2_2-.Ltmp0, $4  }
0x3e: {  	[spmem:s1] =	stream.indirect.scatter.add.f32 [tilespmem:s19], [sflag:$0x3], $0x80, s28, s16, $0xb8;
	[tilespmem:$0x1E800] =	vst v63  }
0x3f: {  	_ =	swait.ge [sflag:s14], $0x3E80  }
0x40: {  	[sflag:s14] =	ssyncset.done $0x0  }
0x41: {  	s26 =	sadd.s32 $0x180, s26;
	[sflag:s14] =	ssyncadd.s32 $0xFFFFC180  }
0x42: {  	[tilespmem:s19], [sflag:$0x2] =	stream.indirect.gather [hbm4b:s4+s16], $0x80, s26, s16, $0xb8;
	[tilespmem:$0x1E800] =	vst v63  }
0x43: {  	_ =	swait.ge [sflag:s20], $0x3E80  }
0x44: {  	[sflag:s20] =	ssyncset.done $0x0  }
0x45: {  	[sflag:s20] =	ssyncadd.s32 $0xFFFFC180  }
0x46: {  	[spmem:s1] =	stream.indirect.scatter.add.f32 [tilespmem:s17], [sflag:$0x3], $0x80, s22, s16, $0xb8;
	[tilespmem:$0x1E800] =	vst v63  }
0x47: {  	_ =	swait.ge [sflag:s14], $0x3E80  }
0x48: {  	[sflag:s14] =	ssyncset.done $0x0  }
0x49: {  	[sflag:s14] =	ssyncadd.s32 $0xFFFFC180  }
0x4a: {  	_ =	swait.ge [sflag:s21], $0x3E80  }
0x4b: {  	[sflag:s21] =	ssyncset.done $0x0  }
0x4c: {  	[sflag:s21] =	ssyncadd.s32 $0xFFFFC180  }
0x4d: {  	[spmem:s1] =	stream.indirect.scatter.add.f32 [tilespmem:s19], [sflag:$0x3], $0x80, s23, s16, $0xb8;
	[tilespmem:$0x1E800] =	vst v63  }
0x4e: {  	_ =	swait.ge [sflag:s14], $0x3E80  }
0x4f: {  	[sflag:s14] =	ssyncset.done $0x0  }
0x50: {  	s25 =	simm.s32 $0x0;
	[sflag:s14] =	ssyncadd.s32 $0xFFFFC180  }
0x51: {  	[tilespmem:s25], [sflag:$0x3] =	stream.linear.gather [hbm4b:s11+s25], $0x1400, $0x38;
	[tilespmem:$0x1E800] =	vst v63  }
0x52: {  	_ =	swait.ge [sflag:s14], $0x1400  }
0x53: {  	[sflag:s14] =	ssyncset.done $0x0  }
0x54: {  	[sflag:s14] =	ssyncadd.s32 $0xFFFFEC00  }
0x55: {  	[tilespmem:s15], [sflag:$0x3] =	stream.linear.gather [hbm4b:s12+s25], $0x1400, $0x38;
	[tilespmem:$0x1E800] =	vst v63  }
0x56: {  	_ =	swait.ge [sflag:s14], $0x1400  }
0x57: {  	[sflag:s14] =	ssyncset.done $0x0  }
0x58: {  	[sflag:s14] =	ssyncadd.s32 $0xFFFFEC00  }
0x59: {  	[tilespmem:s17], [sflag:$0x1] =	stream.indirect.gather [hbm4b:s4+s16], $0x80, s25, s16, $0xb8;
	[tilespmem:$0x1E800] =	vst v63  }
0x5a: {  	_ = 	snop  }
0x5b: {  	[tilespmem:s19], [sflag:$0x2] =	stream.indirect.gather [hbm4b:s4+s16], $0x80, s18, s16, $0xb8;
	[tilespmem:$0x1E800] =	vst v63  }
0x5c: {  	_ =	swait.ge [sflag:s20], $0x3E80  }
0x5d: {  	[sflag:s20] =	ssyncset.done $0x0  }
0x5e: {  	s29 =	simm.s32 $0x1400;
	[sflag:s20] =	ssyncadd.s32 $0xFFFFC180  }
0x5f: {  	[spmem:s1] =	stream.indirect.scatter.add.f32 [tilespmem:s17], [sflag:$0x3], $0x80, s29, s16, $0xb8;
	[tilespmem:$0x1E800] =	vst v63  }
0x60: {  	_ =	swait.ge [sflag:s14], $0x3E80  }
0x61: {  	[sflag:s14] =	ssyncset.done $0x0  }
0x62: {  	s30 =	simm.s32 $0x100;
	[sflag:s14] =	ssyncadd.s32 $0xFFFFC180  }
0x63: {  	[tilespmem:s17], [sflag:$0x1] =	stream.indirect.gather [hbm4b:s4+s16], $0x80, s30, s16, $0xb8;
	[tilespmem:$0x1E800] =	vst v63  }
0x64: {  	_ =	swait.ge [sflag:s21], $0x3E80  }
0x65: {  	[sflag:s21] =	ssyncset.done $0x0  }
0x66: {  	s31 =	simm.s32 $0x1480;
	[sflag:s21] =	ssyncadd.s32 $0xFFFFC180  }
0x67: {  	[spmem:s1] =	stream.indirect.scatter.add.f32 [tilespmem:s19], [sflag:$0x3], $0x80, s31, s16, $0xb8;
	[tilespmem:$0x1E800] =	vst v63  }
0x68: {  	_ =	swait.ge [sflag:s14], $0x3E80  }
0x69: {  	[sflag:s14] =	ssyncset.done $0x0  }
0x6a: {  	s26 =	simm.s32 $0x180;
	s25 =	simm.s32 $0x400;
	[sflag:s14] =	ssyncadd.s32 $0xFFFFC180  }
.LBB2_4:
0x6b: {  	[tilespmem:s19], [sflag:$0x2] =	stream.indirect.gather [hbm4b:s4+s16], $0x80, s26, s16, $0xb8;
	[tilespmem:$0x1E800] =	vst v63  }
0x6c: {  	s26 =	smov.u32 s25  }
0x6d: {  	p0 =	sne.s32 s25, $0x4800;
	s25 =	sadd.s32 $0x400, s25;
	_ =	swait.ge [sflag:s20], $0x3E80  }
0x6e: {  	s26 =	sshra.s32 s26, $0x2;
	[sflag:s20] =	ssyncset.done $0x0  }
0x6f: {  	s28 =	sadd.s32 $0x1400, s26;
	[sflag:s20] =	ssyncadd.s32 $0xFFFFC180  }
0x70: {  	[spmem:s1] =	stream.indirect.scatter.add.f32 [tilespmem:s17], [sflag:$0x3], $0x80, s28, s16, $0xb8;
	[tilespmem:$0x1E800] =	vst v63  }
0x71: {  	_ =	swait.ge [sflag:s14], $0x3E80  }
0x72: {  	[sflag:s14] =	ssyncset.done $0x0  }
0x73: {  	s28 =	sadd.s32 $0x100, s26;
	[sflag:s14] =	ssyncadd.s32 $0xFFFFC180  }
0x74: {  	[tilespmem:s17], [sflag:$0x1] =	stream.indirect.gather [hbm4b:s4+s16], $0x80, s28, s16, $0xb8;
	[tilespmem:$0x1E800] =	vst v63  }
0x75: {  	_ =	swait.ge [sflag:s21], $0x3E80  }
0x76: {  	[sflag:s21] =	ssyncset.done $0x0  }
.Ltmp1:
0x77: {  	s28 =	sadd.s32 $0x1480, s26;
	[sflag:s21] =	ssyncadd.s32 $0xFFFFC180;
	(pc) =	sbr.rel @p0 .LBB2_4-.Ltmp1, $4  }
0x78: {  	[spmem:s1] =	stream.indirect.scatter.add.f32 [tilespmem:s19], [sflag:$0x3], $0x80, s28, s16, $0xb8;
	[tilespmem:$0x1E800] =	vst v63  }
0x79: {  	_ =	swait.ge [sflag:s14], $0x3E80  }
0x7a: {  	[sflag:s14] =	ssyncset.done $0x0  }
0x7b: {  	s26 =	sadd.s32 $0x180, s26;
	[sflag:s14] =	ssyncadd.s32 $0xFFFFC180  }
0x7c: {  	[tilespmem:s19], [sflag:$0x2] =	stream.indirect.gather [hbm4b:s4+s16], $0x80, s26, s16, $0xb8;
	[tilespmem:$0x1E800] =	vst v63  }
0x7d: {  	_ =	swait.ge [sflag:s20], $0x3E80  }
0x7e: {  	[sflag:s20] =	ssyncset.done $0x0  }
0x7f: {  	[sflag:s20] =	ssyncadd.s32 $0xFFFFC180  }
0x80: {  	[spmem:s1] =	stream.indirect.scatter.add.f32 [tilespmem:s17], [sflag:$0x3], $0x80, s22, s16, $0xb8;
	[tilespmem:$0x1E800] =	vst v63  }
0x81: {  	_ =	swait.ge [sflag:s14], $0x3E80  }
0x82: {  	[sflag:s14] =	ssyncset.done $0x0  }
0x83: {  	[sflag:s14] =	ssyncadd.s32 $0xFFFFC180  }
0x84: {  	_ =	swait.ge [sflag:s21], $0x3E80  }
0x85: {  	[sflag:s21] =	ssyncset.done $0x0  }
0x86: {  	[sflag:s21] =	ssyncadd.s32 $0xFFFFC180  }
0x87: {  	[spmem:s1] =	stream.indirect.scatter.add.f32 [tilespmem:s19], [sflag:$0x3], $0x80, s23, s16, $0xb8;
	[tilespmem:$0x1E800] =	vst v63  }
0x88: {  	_ =	swait.ge [sflag:s14], $0x3E80  }
0x89: {  	s24 =	sadd.s32 $0x1, s24;
	[sflag:s14] =	ssyncset.done $0x0  }
0x8a: {  	p0 =	sne.s32 s24, s8;
	[sflag:s14] =	ssyncadd.s32 $0xFFFFC180  }
.Ltmp2:
0x8b: {  	[bflag:$0x0] =	sbarrier.arrive $0xFFFF;
	(pc) =	sbr.rel @p0 .LBB2_1-.Ltmp2, $4  }
0x8c: {  	[hbm:s7], [sflag:s6] =	dma.local [spmem:s13], $0x2800  }
0x8d: {  	_ =	swait.ge [sflag:s14], $0x2800  }
0x8e: {  	[sflag:s14] =	ssyncset.done $0x0  }
0x8f: {  	[sflag:s14] =	ssyncadd.s32 $0xFFFFD800  }
0x90: {  	_ =	sfence.sel $0x180000  }
0x91: {  	[bflag:$0x0] =	sbarrier.arrive $0xFFFF  }
0x92: {  	p0 =	sne.s32 s2, $0x0;
	_ =	strace $0x90000047  }
0x93: {  	s0 =	sadd.s32 @!p0 $0x100000, s0;
	[bflag:$0x2] =	sbarrier.arrive $0xFFFF  }
0x94: {  	[sflag:s0] =	ssyncadd.tile.s32 @!p0 $0x1;
	_ =	shalt  }
.Lfunc_end2:
_tile_overlayer_lowered:
.L_overlay_start_2:
0x95: {  	(tag) =	ssettag $0x2  }
0x96: {  	s0 =	rddreg [dreg:$0x0];
	s2 =	stileid.u32  }
0x97: {  	s1 =	rddreg [dreg:$0x1];
	p0 =	sne.s32 s2, $0x0  }
0x98: {  	s3 =	rddreg [dreg:$0x2];
	[bflag:$0x3] =	sbarrier.arrive $0xFFFF;
	s2 =	simm.s32 @!p0 $0x1C03  }
0x99: {  	[timem:s3], [sflag:s2] =	dma.local @!p0 [hbm:s0], s1  }
0x9a: {  	s0 =	simm.s32 @!p0 $0x3  }
0x9b: {  	_ =	swait.ge @!p0 [sflag:s0], s1  }
0x9c: {  	s1 =	ssub.s32 @!p0 $0x0, s1;
	[sflag:s0] =	ssyncset.done @!p0 $0x0  }
0x9d: {  	[sflag:s0] =	ssyncadd.s32 @!p0 s1  }
0x9e: {  	[bflag:$0x3] =	sbarrier.arrive $0xFFFF  }
0x9f: {  	_ =	shalt  }

</sc_bundles>
